<compile_context>
chip_gen: v7x
topology: tpu7x:2x2x1
jax: 0.10.2.dev20260603
libtpu: 0.0.44.dev20260713+nightly
codegen_flags: <defaults>
</compile_context>

<pallas_src>
import functools

import jax
import jax.numpy as jnp
from jax import lax
from jax.experimental import pallas as pl
from jax.experimental.pallas import tpu as pltpu
from jax.experimental.pallas import tpu_sc as plsc

N_NODES = 10000
N_EDGES = 320000
D = 128

NC = 2
NS = 16
NW = NC * NS

CHUNK = 128
NCHUNKS = N_EDGES // CHUNK
N_PAD = 10240
ROWS_PER_TILE = N_PAD // NS


def _sc_body(ei_hbm, x_hbm, part_hbm, acc_sh, srcv0, dstv0,
             srcv1, dstv1, dsts0, dsts1, rows0, rows1, semi, semg, sems):
    c = lax.axis_index("c")
    s = lax.axis_index("s")
    wid = s * NC + c

    def _zero(t, carry):
        i = t // 8
        j = t % 8
        rows0[i, pl.ds(j * 16, 16)] = jnp.zeros((16,), jnp.float32)
        return carry

    lax.fori_loop(0, CHUNK * 8, _zero, None)
    for j in range(ROWS_PER_TILE // CHUNK):
        pltpu.sync_copy(rows0, acc_sh.at[pl.ds(s * ROWS_PER_TILE + j * CHUNK,
                                               CHUNK)])
    plsc.subcore_barrier()

    def _off(k):
        return jnp.minimum(wid + k * NW, NCHUNKS - 1) * CHUNK

    def _snap(dv, ds_):
        for j in range(CHUNK // 16):
            ds_[pl.ds(j * 16, 16)] = dv[pl.ds(j * 16, 16)]

    pltpu.sync_copy(ei_hbm.at[pl.ds(_off(0), CHUNK)], srcv0)
    pltpu.sync_copy(ei_hbm.at[pl.ds(N_EDGES + _off(0), CHUNK)], dstv0)

    def _pair(g, carry):
        ka = 2 * g
        pltpu.async_copy(ei_hbm.at[pl.ds(_off(ka + 1), CHUNK)], srcv1, semi)
        pltpu.async_copy(ei_hbm.at[pl.ds(N_EDGES + _off(ka + 1), CHUNK)],
                         dstv1, semi)
        pltpu.async_copy(x_hbm.at[srcv0], rows0, semg).wait()

        @pl.when(g > 0)
        def _wait_prev():
            pltpu.make_async_copy(x_hbm.at[pl.ds(0, CHUNK)], rows1,
                                  sems).wait()

        _snap(dstv0, dsts0)
        pltpu.async_copy(rows0, acc_sh.at[dsts0], add=True, sem=sems)
        pltpu.make_async_copy(ei_hbm.at[pl.ds(0, CHUNK)], srcv1, semi).wait()
        pltpu.make_async_copy(ei_hbm.at[pl.ds(0, CHUNK)], dstv1, semi).wait()
        pltpu.async_copy(ei_hbm.at[pl.ds(_off(ka + 2), CHUNK)], srcv0, semi)
        pltpu.async_copy(ei_hbm.at[pl.ds(N_EDGES + _off(ka + 2), CHUNK)],
                         dstv0, semi)
        pltpu.async_copy(x_hbm.at[srcv1], rows1, semg).wait()
        pltpu.make_async_copy(x_hbm.at[pl.ds(0, CHUNK)], rows0, sems).wait()
        _snap(dstv1, dsts1)
        pltpu.async_copy(rows1, acc_sh.at[dsts1], add=True, sem=sems)
        pltpu.make_async_copy(ei_hbm.at[pl.ds(0, CHUNK)], srcv0, semi).wait()
        pltpu.make_async_copy(ei_hbm.at[pl.ds(0, CHUNK)], dstv0, semi).wait()
        return carry

    lax.fori_loop(0, NCHUNKS // NW // 2, _pair, None)
    pltpu.make_async_copy(x_hbm.at[pl.ds(0, CHUNK)], rows1, sems).wait()
    @pl.when(wid < NCHUNKS % NW)
    def _tail():
        pltpu.async_copy(x_hbm.at[srcv0], rows0, semg).wait()
        pltpu.sync_copy(rows0, acc_sh.at[dstv0], add=True)

    plsc.subcore_barrier()

    pltpu.sync_copy(acc_sh.at[pl.ds(s * ROWS_PER_TILE, ROWS_PER_TILE)],
                    part_hbm.at[c, pl.ds(s * ROWS_PER_TILE, ROWS_PER_TILE)])


@jax.jit
def _sc_scatter(ei_flat, x):
    mesh = plsc.VectorSubcoreMesh(core_axis_name="c", subcore_axis_name="s")
    return pl.kernel(
        _sc_body,
        mesh=mesh,
        out_type=jax.ShapeDtypeStruct((NC, N_PAD, D), jnp.float32),
        scratch_types=[
            pltpu.VMEM_SHARED((N_PAD, D), jnp.float32),
            pltpu.VMEM((CHUNK,), jnp.int32),
            pltpu.VMEM((CHUNK,), jnp.int32),
            pltpu.VMEM((CHUNK,), jnp.int32),
            pltpu.VMEM((CHUNK,), jnp.int32),
            pltpu.VMEM((CHUNK,), jnp.int32),
            pltpu.VMEM((CHUNK,), jnp.int32),
            pltpu.VMEM((CHUNK, D), jnp.float32),
            pltpu.VMEM((CHUNK, D), jnp.float32),
            pltpu.SemaphoreType.DMA,
            pltpu.SemaphoreType.DMA,
            pltpu.SemaphoreType.DMA,
        ],
    )(ei_flat, x)


def _mm_body(p_ref, w_ref, b_ref, o_ref):
    h = p_ref[0] + p_ref[1]
    o_ref[...] = lax.dot_general(
        h, w_ref[...], (((1,), (1,)), ((), ())),
        preferred_element_type=jnp.float32) + b_ref[...]


def _tc_linear(parts, W, b2d):
    bn = 1000
    grid = N_NODES // bn
    return pl.pallas_call(
        _mm_body,
        grid=(grid,),
        in_specs=[
            pl.BlockSpec((NC, bn, D), lambda i: (0, i, 0)),
            pl.BlockSpec((D, D), lambda i: (0, 0)),
            pl.BlockSpec((1, D), lambda i: (0, 0)),
        ],
        out_specs=pl.BlockSpec((bn, D), lambda i: (i, 0)),
        out_shape=jax.ShapeDtypeStruct((N_NODES, D), jnp.float32),
    )(parts, W, b2d)


def kernel(x, edge_index, W, b):
    parts = _sc_scatter(edge_index.reshape(-1), x)
    return _tc_linear(parts, W, b.reshape(1, D))

# --- scband reference (transcript-rebuilt; emitter-appended) ---
"""Pipeline reference for scband-gcnlayer-16449724744840 (READ-ONLY COPY).

The authoritative reference and input builder live on the scoring server;
editing this copy changes nothing except your own understanding.
"""

import jax, jax.numpy as jnp
import numpy as np

N_NODES = 10000
N_EDGES = 320000
D_IN = 128
D_OUT = 128


def setup_inputs(seed: int = 0) -> dict:
    key = jax.random.key(seed)
    k1, k2, k3 = jax.random.split(key, 3)
    x = jax.random.normal(k1, (N_NODES, D_IN), dtype=jnp.float32)
    edge_index = jax.random.randint(k2, (2, N_EDGES), 0, N_NODES, dtype=jnp.int32)
    # nn.Linear(in_feats, out_feats): weight [out, in], bias [out]
    W = jax.random.normal(k3, (D_OUT, D_IN), dtype=jnp.float32) * 0.02
    b = jnp.zeros((D_OUT,), dtype=jnp.float32)
    return {"x": x, "edge_index": edge_index, "W": W, "b": b}


def reference(x, edge_index, W, b):
    # DGL GCNLayer: msg = src['h']; reduce = sum over incoming edges; then linear.
    src = edge_index[0]
    dst = edge_index[1]
    msg = jnp.take(x, src, axis=0)              # gather: [E, D_in]
    h = jax.ops.segment_sum(msg, dst, num_segments=x.shape[0])  # scatter-add: [N, D_in]
    out = h @ W.T + b                           # linear
    return out

if __name__ == "__main__":
    import jax
    _d = setup_inputs()
    print(jax.jit(kernel)(*tuple(_d.values())))

</pallas_src>

<mosaic_0001>
#map = affine_map<(d0, d1) -> (0)>
#map1 = affine_map<(d0, d1) -> (0, 0)>
#map2 = affine_map<(d0, d1) -> (0, 0, 0)>
module attributes {stable_mosaic.version = 14 : i64} {
  func.func @_sc_body(%arg0: i32, %arg1: i32, %arg2: memref<640000xi32, #tpu.memory_space<hbm>>, %arg3: memref<10000x128xf32, #tpu.memory_space<hbm>>, %arg4: memref<2x10240x128xf32, #tpu.memory_space<hbm>>, %arg5: memref<10240x128xf32, #tpu.memory_space<vmem_shared>>, %arg6: memref<128xi32, #tpu.memory_space<vmem>>, %arg7: memref<128xi32, #tpu.memory_space<vmem>>, %arg8: memref<128xi32, #tpu.memory_space<vmem>>, %arg9: memref<128xi32, #tpu.memory_space<vmem>>, %arg10: memref<128xi32, #tpu.memory_space<vmem>>, %arg11: memref<128xi32, #tpu.memory_space<vmem>>, %arg12: memref<128x128xf32, #tpu.memory_space<vmem>>, %arg13: memref<128x128xf32, #tpu.memory_space<vmem>>, %arg14: memref<!tpu.dma_semaphore, #tpu.memory_space<semaphore_mem>>, %arg15: memref<!tpu.dma_semaphore, #tpu.memory_space<semaphore_mem>>, %arg16: memref<!tpu.dma_semaphore, #tpu.memory_space<semaphore_mem>>) attributes {dimension_semantics = [#tpu.dimension_semantics<core_parallel>, #tpu.dimension_semantics<subcore_parallel>], iteration_bounds = array<i64: 2, 16>, scalar_prefetch = 0 : i64, scratch_operands = 12 : i64, tpu.core_type = #tpu.core_type<sc_vector_subcore>, window_params = [{transform_indices = #map}, {transform_indices = #map1}, {transform_indices = #map2}]} {
    %mul3A = arith.constant 2 : i32
    %mul3A_0 = arith.muli %arg1, %mul3A : i32
    %add3A = arith.addi %mul3A_0, %arg0 : i32
    %scan3A = arith.constant 0 : i32
    %scan3A_1 = arith.constant 1024 : i32
    %scan3A_2 = arith.addi %scan3A, %scan3A_1 : i32
    %scan3A_3 = arith.constant 1 : i32
    scf.for %scan3A_55 = %scan3A to %scan3A_2 step %scan3A_3  : i32 {
      %jit3A = arith.constant 8 : i32
      %div3A = arith.divsi %scan3A_55, %jit3A : i32
      %sign3A = arith.constant 0 : i32
      %sign3A_56 = arith.cmpi sgt, %scan3A_55, %sign3A : i32
      %sign3A_57 = arith.extui %sign3A_56 : i1 to i32
      %sign3A_58 = arith.constant 0 : i32
      %sign3A_59 = arith.cmpi slt, %scan3A_55, %sign3A_58 : i32
      %sign3A_60 = arith.extui %sign3A_59 : i1 to i32
      %sign3A_61 = arith.subi %sign3A_57, %sign3A_60 : i32
      %sign3A_62 = arith.constant 0 : i32
      %sign3A_63 = arith.cmpi sgt, %jit3A, %sign3A_62 : i32
      %sign3A_64 = arith.extui %sign3A_63 : i1 to i32
      %sign3A_65 = arith.constant 0 : i32
      %sign3A_66 = arith.cmpi slt, %jit3A, %sign3A_65 : i32
      %sign3A_67 = arith.extui %sign3A_66 : i1 to i32
      %sign3A_68 = arith.subi %sign3A_64, %sign3A_67 : i32
      %ne3A = arith.cmpi ne, %sign3A_61, %sign3A_68 : i32
      %rem3A = arith.remsi %scan3A_55, %jit3A : i32
      %ne3A_69 = arith.constant 0 : i32
      %ne3A_70 = arith.cmpi ne, %rem3A, %ne3A_69 : i32
      %and3A = arith.andi %ne3A, %ne3A_70 : i1
      %sub3A = arith.constant 1 : i32
      %sub3A_71 = arith.subi %div3A, %sub3A : i32
      %select_n3A = arith.select %and3A, %sub3A_71, %div3A : i32
      %jit3A_72 = arith.constant 8 : i32
      %eq3A = arith.constant 0 : i32
      %eq3A_73 = arith.cmpi eq, %jit3A_72, %eq3A : i32
      %jit3A_74 = arith.constant 1 : i32
      %select_n3A_75 = arith.select %eq3A_73, %jit3A_74, %jit3A_72 : i32
      %rem3A_76 = arith.remsi %scan3A_55, %select_n3A_75 : i32
      %ne3A_77 = arith.constant 0 : i32
      %ne3A_78 = arith.cmpi ne, %rem3A_76, %ne3A_77 : i32
      %lt3A_79 = arith.constant 0 : i32
      %lt3A_80 = arith.cmpi slt, %rem3A_76, %lt3A_79 : i32
      %lt3A_81 = arith.constant 0 : i32
      %lt3A_82 = arith.cmpi slt, %select_n3A_75, %lt3A_81 : i32
      %ne3A_83 = arith.xori %lt3A_80, %lt3A_82 : i1
      %and3A_84 = arith.andi %ne3A_83, %ne3A_78 : i1
      %add3A_85 = arith.addi %rem3A_76, %select_n3A_75 : i32
      %select_n3A_86 = arith.select %and3A_84, %add3A_85, %rem3A_76 : i32
      %broadcast_in_dim3A = arith.constant 0.000000e+00 : f32
      %broadcast_in_dim3A_87 = vector.broadcast %broadcast_in_dim3A : f32 to vector<16xf32>
      %mul3A_88 = arith.constant 16 : i32
      %mul3A_89 = arith.muli %select_n3A_86, %mul3A_88 : i32
      %swap3A = arith.index_cast %select_n3A : i32 to index
      %swap3A_90 = arith.index_cast %mul3A_89 : i32 to index
      %swap3A_91 = tpu.vector_load %arg12[%swap3A, %swap3A_90] {strides = array<i32>} : memref<128x128xf32, #tpu.memory_space<vmem>>, vector<1x16xf32>,
      %swap3A_92 = vector.shape_cast %swap3A_91 : vector<1x16xf32> to vector<16xf32>
      %swap3A_93 = vector.shape_cast %broadcast_in_dim3A_87 : vector<16xf32> to vector<1x16xf32>
      tpu.vector_store %arg12[%swap3A, %swap3A_90], %swap3A_93 {strides = array<i32>} : memref<128x128xf32, #tpu.memory_space<vmem>>, vector<1x16xf32>,
    }
    %scan3A_4 = arith.constant 1024 : i32
    %mul3A_5 = arith.constant 640 : i32
    %mul3A_6 = arith.muli %arg1, %mul3A_5 : i32
    %add3A_7 = arith.constant 0 : i32
    %add3A_8 = arith.addi %mul3A_6, %add3A_7 : i32
    "tpu.region"() ({
      %run_scoped3A = tpu.sem_alloc : memref<!tpu.dma_semaphore, #tpu.memory_space<semaphore_mem>>
      %dma_start3A = arith.constant 0 : i32
      %dma_start3A_55 = tpu.memref_slice %arg5[%add3A_8, %dma_start3A] : memref<10240x128xf32, #tpu.memory_space<vmem_shared>> -> memref<128x128xf32, #tpu.memory_space<vmem_shared>>
      %dma_start3A_56 = arith.constant 0 : i32
      %dma_start3A_57 = tpu.memref_slice %arg5[%add3A_8, %dma_start3A_56] : memref<10240x128xf32, #tpu.memory_space<vmem_shared>> -> memref<128x128xf32, #tpu.memory_space<vmem_shared>>
      tpu.enqueue_dma source(%arg12 : memref<128x128xf32, #tpu.memory_space<vmem>>) target(%dma_start3A_57 : memref<128x128xf32, #tpu.memory_space<vmem_shared>>) target_semaphore(%run_scoped3A : memref<!tpu.dma_semaphore, #tpu.memory_space<semaphore_mem>>)
      %dma_wait3A_58 = arith.constant 0 : i32
      %dma_wait3A_59 = tpu.memref_slice %arg5[%add3A_8, %dma_wait3A_58] : memref<10240x128xf32, #tpu.memory_space<vmem_shared>> -> memref<128x128xf32, #tpu.memory_space<vmem_shared>>
      %dma_wait3A_60 = arith.constant 0 : i32
      %dma_wait3A_61 = tpu.memref_slice %arg5[%add3A_8, %dma_wait3A_60] : memref<10240x128xf32, #tpu.memory_space<vmem_shared>> -> memref<128x128xf32, #tpu.memory_space<vmem_shared>>
      tpu.wait_dma2 semaphore(%run_scoped3A : memref<!tpu.dma_semaphore, #tpu.memory_space<semaphore_mem>>) src(%arg12 : memref<128x128xf32, #tpu.memory_space<vmem>>) dst(%dma_wait3A_61 : memref<128x128xf32, #tpu.memory_space<vmem_shared>>)
      tpu.yield
    }) : () -> ()
    %mul3A_9 = arith.constant 640 : i32
    %mul3A_10 = arith.muli %arg1, %mul3A_9 : i32
    %add3A_11 = arith.constant 128 : i32
    %add3A_12 = arith.addi %mul3A_10, %add3A_11 : i32
    "tpu.region"() ({
      %run_scoped3A = tpu.sem_alloc : memref<!tpu.dma_semaphore, #tpu.memory_space<semaphore_mem>>
      %dma_start3A = arith.constant 0 : i32
      %dma_start3A_55 = tpu.memref_slice %arg5[%add3A_12, %dma_start3A] : memref<10240x128xf32, #tpu.memory_space<vmem_shared>> -> memref<128x128xf32, #tpu.memory_space<vmem_shared>>
      %dma_start3A_56 = arith.constant 0 : i32
      %dma_start3A_57 = tpu.memref_slice %arg5[%add3A_12, %dma_start3A_56] : memref<10240x128xf32, #tpu.memory_space<vmem_shared>> -> memref<128x128xf32, #tpu.memory_space<vmem_shared>>
      tpu.enqueue_dma source(%arg12 : memref<128x128xf32, #tpu.memory_space<vmem>>) target(%dma_start3A_57 : memref<128x128xf32, #tpu.memory_space<vmem_shared>>) target_semaphore(%run_scoped3A : memref<!tpu.dma_semaphore, #tpu.memory_space<semaphore_mem>>)
      %dma_wait3A_58 = arith.constant 0 : i32
      %dma_wait3A_59 = tpu.memref_slice %arg5[%add3A_12, %dma_wait3A_58] : memref<10240x128xf32, #tpu.memory_space<vmem_shared>> -> memref<128x128xf32, #tpu.memory_space<vmem_shared>>
      %dma_wait3A_60 = arith.constant 0 : i32
      %dma_wait3A_61 = tpu.memref_slice %arg5[%add3A_12, %dma_wait3A_60] : memref<10240x128xf32, #tpu.memory_space<vmem_shared>> -> memref<128x128xf32, #tpu.memory_space<vmem_shared>>
      tpu.wait_dma2 semaphore(%run_scoped3A : memref<!tpu.dma_semaphore, #tpu.memory_space<semaphore_mem>>) src(%arg12 : memref<128x128xf32, #tpu.memory_space<vmem>>) dst(%dma_wait3A_61 : memref<128x128xf32, #tpu.memory_space<vmem_shared>>)
      tpu.yield
    }) : () -> ()
    %mul3A_13 = arith.constant 640 : i32
    %mul3A_14 = arith.muli %arg1, %mul3A_13 : i32
    %add3A_15 = arith.constant 256 : i32
    %add3A_16 = arith.addi %mul3A_14, %add3A_15 : i32
    "tpu.region"() ({
      %run_scoped3A = tpu.sem_alloc : memref<!tpu.dma_semaphore, #tpu.memory_space<semaphore_mem>>
      %dma_start3A = arith.constant 0 : i32
      %dma_start3A_55 = tpu.memref_slice %arg5[%add3A_16, %dma_start3A] : memref<10240x128xf32, #tpu.memory_space<vmem_shared>> -> memref<128x128xf32, #tpu.memory_space<vmem_shared>>
      %dma_start3A_56 = arith.constant 0 : i32
      %dma_start3A_57 = tpu.memref_slice %arg5[%add3A_16, %dma_start3A_56] : memref<10240x128xf32, #tpu.memory_space<vmem_shared>> -> memref<128x128xf32, #tpu.memory_space<vmem_shared>>
      tpu.enqueue_dma source(%arg12 : memref<128x128xf32, #tpu.memory_space<vmem>>) target(%dma_start3A_57 : memref<128x128xf32, #tpu.memory_space<vmem_shared>>) target_semaphore(%run_scoped3A : memref<!tpu.dma_semaphore, #tpu.memory_space<semaphore_mem>>)
      %dma_wait3A_58 = arith.constant 0 : i32
      %dma_wait3A_59 = tpu.memref_slice %arg5[%add3A_16, %dma_wait3A_58] : memref<10240x128xf32, #tpu.memory_space<vmem_shared>> -> memref<128x128xf32, #tpu.memory_space<vmem_shared>>
      %dma_wait3A_60 = arith.constant 0 : i32
      %dma_wait3A_61 = tpu.memref_slice %arg5[%add3A_16, %dma_wait3A_60] : memref<10240x128xf32, #tpu.memory_space<vmem_shared>> -> memref<128x128xf32, #tpu.memory_space<vmem_shared>>
      tpu.wait_dma2 semaphore(%run_scoped3A : memref<!tpu.dma_semaphore, #tpu.memory_space<semaphore_mem>>) src(%arg12 : memref<128x128xf32, #tpu.memory_space<vmem>>) dst(%dma_wait3A_61 : memref<128x128xf32, #tpu.memory_space<vmem_shared>>)
      tpu.yield
    }) : () -> ()
    %mul3A_17 = arith.constant 640 : i32
    %mul3A_18 = arith.muli %arg1, %mul3A_17 : i32
    %add3A_19 = arith.constant 384 : i32
    %add3A_20 = arith.addi %mul3A_18, %add3A_19 : i32
    "tpu.region"() ({
      %run_scoped3A = tpu.sem_alloc : memref<!tpu.dma_semaphore, #tpu.memory_space<semaphore_mem>>
      %dma_start3A = arith.constant 0 : i32
      %dma_start3A_55 = tpu.memref_slice %arg5[%add3A_20, %dma_start3A] : memref<10240x128xf32, #tpu.memory_space<vmem_shared>> -> memref<128x128xf32, #tpu.memory_space<vmem_shared>>
      %dma_start3A_56 = arith.constant 0 : i32
      %dma_start3A_57 = tpu.memref_slice %arg5[%add3A_20, %dma_start3A_56] : memref<10240x128xf32, #tpu.memory_space<vmem_shared>> -> memref<128x128xf32, #tpu.memory_space<vmem_shared>>
      tpu.enqueue_dma source(%arg12 : memref<128x128xf32, #tpu.memory_space<vmem>>) target(%dma_start3A_57 : memref<128x128xf32, #tpu.memory_space<vmem_shared>>) target_semaphore(%run_scoped3A : memref<!tpu.dma_semaphore, #tpu.memory_space<semaphore_mem>>)
      %dma_wait3A_58 = arith.constant 0 : i32
      %dma_wait3A_59 = tpu.memref_slice %arg5[%add3A_20, %dma_wait3A_58] : memref<10240x128xf32, #tpu.memory_space<vmem_shared>> -> memref<128x128xf32, #tpu.memory_space<vmem_shared>>
      %dma_wait3A_60 = arith.constant 0 : i32
      %dma_wait3A_61 = tpu.memref_slice %arg5[%add3A_20, %dma_wait3A_60] : memref<10240x128xf32, #tpu.memory_space<vmem_shared>> -> memref<128x128xf32, #tpu.memory_space<vmem_shared>>
      tpu.wait_dma2 semaphore(%run_scoped3A : memref<!tpu.dma_semaphore, #tpu.memory_space<semaphore_mem>>) src(%arg12 : memref<128x128xf32, #tpu.memory_space<vmem>>) dst(%dma_wait3A_61 : memref<128x128xf32, #tpu.memory_space<vmem_shared>>)
      tpu.yield
    }) : () -> ()
    %mul3A_21 = arith.constant 640 : i32
    %mul3A_22 = arith.muli %arg1, %mul3A_21 : i32
    %add3A_23 = arith.constant 512 : i32
    %add3A_24 = arith.addi %mul3A_22, %add3A_23 : i32
    "tpu.region"() ({
      %run_scoped3A = tpu.sem_alloc : memref<!tpu.dma_semaphore, #tpu.memory_space<semaphore_mem>>
      %dma_start3A = arith.constant 0 : i32
      %dma_start3A_55 = tpu.memref_slice %arg5[%add3A_24, %dma_start3A] : memref<10240x128xf32, #tpu.memory_space<vmem_shared>> -> memref<128x128xf32, #tpu.memory_space<vmem_shared>>
      %dma_start3A_56 = arith.constant 0 : i32
      %dma_start3A_57 = tpu.memref_slice %arg5[%add3A_24, %dma_start3A_56] : memref<10240x128xf32, #tpu.memory_space<vmem_shared>> -> memref<128x128xf32, #tpu.memory_space<vmem_shared>>
      tpu.enqueue_dma source(%arg12 : memref<128x128xf32, #tpu.memory_space<vmem>>) target(%dma_start3A_57 : memref<128x128xf32, #tpu.memory_space<vmem_shared>>) target_semaphore(%run_scoped3A : memref<!tpu.dma_semaphore, #tpu.memory_space<semaphore_mem>>)
      %dma_wait3A_58 = arith.constant 0 : i32
      %dma_wait3A_59 = tpu.memref_slice %arg5[%add3A_24, %dma_wait3A_58] : memref<10240x128xf32, #tpu.memory_space<vmem_shared>> -> memref<128x128xf32, #tpu.memory_space<vmem_shared>>
      %dma_wait3A_60 = arith.constant 0 : i32
      %dma_wait3A_61 = tpu.memref_slice %arg5[%add3A_24, %dma_wait3A_60] : memref<10240x128xf32, #tpu.memory_space<vmem_shared>> -> memref<128x128xf32, #tpu.memory_space<vmem_shared>>
      tpu.wait_dma2 semaphore(%run_scoped3A : memref<!tpu.dma_semaphore, #tpu.memory_space<semaphore_mem>>) src(%arg12 : memref<128x128xf32, #tpu.memory_space<vmem>>) dst(%dma_wait3A_61 : memref<128x128xf32, #tpu.memory_space<vmem_shared>>)
      tpu.yield
    }) : () -> ()
    %barrier3A = arith.constant 0 : index
    tpu.barrier barrier_id(%barrier3A)
    %add3A_25 = arith.constant 0 : i32
    %add3A_26 = arith.addi %add3A, %add3A_25 : i32
    %min3A = arith.constant 2499 : i32
    %min3A_27 = arith.minsi %add3A_26, %min3A : i32
    %mul3A_28 = arith.constant 128 : i32
    %mul3A_29 = arith.muli %min3A_27, %mul3A_28 : i32
    "tpu.region"() ({
      %run_scoped3A = tpu.sem_alloc : memref<!tpu.dma_semaphore, #tpu.memory_space<semaphore_mem>>
      %dma_start3A = tpu.memref_slice %arg2[%mul3A_29] : memref<640000xi32, #tpu.memory_space<hbm>> -> memref<128xi32, #tpu.memory_space<hbm>>
      %dma_start3A_55 = tpu.memref_slice %arg2[%mul3A_29] : memref<640000xi32, #tpu.memory_space<hbm>> -> memref<128xi32, #tpu.memory_space<hbm>>
      tpu.enqueue_dma source(%dma_start3A_55 : memref<128xi32, #tpu.memory_space<hbm>>) target(%arg6 : memref<128xi32, #tpu.memory_space<vmem>>) target_semaphore(%run_scoped3A : memref<!tpu.dma_semaphore, #tpu.memory_space<semaphore_mem>>)
      %dma_wait3A_56 = tpu.memref_slice %arg2[%mul3A_29] : memref<640000xi32, #tpu.memory_space<hbm>> -> memref<128xi32, #tpu.memory_space<hbm>>
      %dma_wait3A_57 = tpu.memref_slice %arg2[%mul3A_29] : memref<640000xi32, #tpu.memory_space<hbm>> -> memref<128xi32, #tpu.memory_space<hbm>>
      tpu.wait_dma2 semaphore(%run_scoped3A : memref<!tpu.dma_semaphore, #tpu.memory_space<semaphore_mem>>) src(%dma_wait3A_57 : memref<128xi32, #tpu.memory_space<hbm>>) dst(%arg6 : memref<128xi32, #tpu.memory_space<vmem>>)
      tpu.yield
    }) : () -> ()
    %add3A_30 = arith.constant 0 : i32
    %add3A_31 = arith.addi %add3A, %add3A_30 : i32
    %min3A_32 = arith.constant 2499 : i32
    %min3A_33 = arith.minsi %add3A_31, %min3A_32 : i32
    %mul3A_34 = arith.constant 128 : i32
    %mul3A_35 = arith.muli %min3A_33, %mul3A_34 : i32
    %add3A_36 = arith.constant 320000 : i32
    %add3A_37 = arith.addi %add3A_36, %mul3A_35 : i32
    "tpu.region"() ({
      %run_scoped3A = tpu.sem_alloc : memref<!tpu.dma_semaphore, #tpu.memory_space<semaphore_mem>>
      %dma_start3A = tpu.memref_slice %arg2[%add3A_37] : memref<640000xi32, #tpu.memory_space<hbm>> -> memref<128xi32, #tpu.memory_space<hbm>>
      %dma_start3A_55 = tpu.memref_slice %arg2[%add3A_37] : memref<640000xi32, #tpu.memory_space<hbm>> -> memref<128xi32, #tpu.memory_space<hbm>>
      tpu.enqueue_dma source(%dma_start3A_55 : memref<128xi32, #tpu.memory_space<hbm>>) target(%arg7 : memref<128xi32, #tpu.memory_space<vmem>>) target_semaphore(%run_scoped3A : memref<!tpu.dma_semaphore, #tpu.memory_space<semaphore_mem>>)
      %dma_wait3A_56 = tpu.memref_slice %arg2[%add3A_37] : memref<640000xi32, #tpu.memory_space<hbm>> -> memref<128xi32, #tpu.memory_space<hbm>>
      %dma_wait3A_57 = tpu.memref_slice %arg2[%add3A_37] : memref<640000xi32, #tpu.memory_space<hbm>> -> memref<128xi32, #tpu.memory_space<hbm>>
      tpu.wait_dma2 semaphore(%run_scoped3A : memref<!tpu.dma_semaphore, #tpu.memory_space<semaphore_mem>>) src(%dma_wait3A_57 : memref<128xi32, #tpu.memory_space<hbm>>) dst(%arg7 : memref<128xi32, #tpu.memory_space<vmem>>)
      tpu.yield
    }) : () -> ()
    %scan3A_38 = arith.constant 0 : i32
    %scan3A_39 = arith.constant 39 : i32
    %scan3A_40 = arith.addi %scan3A_38, %scan3A_39 : i32
    %scan3A_41 = arith.constant 1 : i32
    scf.for %scan3A_55 = %scan3A_38 to %scan3A_40 step %scan3A_41  : i32 {
      %mul3A_56 = arith.constant 2 : i32
      %mul3A_57 = arith.muli %mul3A_56, %scan3A_55 : i32
      %add3A_58 = arith.constant 1 : i32
      %add3A_59 = arith.addi %mul3A_57, %add3A_58 : i32
      %mul3A_60 = arith.constant 32 : i32
      %mul3A_61 = arith.muli %add3A_59, %mul3A_60 : i32
      %add3A_62 = arith.addi %add3A, %mul3A_61 : i32
      %min3A_63 = arith.constant 2499 : i32
      %min3A_64 = arith.minsi %add3A_62, %min3A_63 : i32
      %mul3A_65 = arith.constant 128 : i32
      %mul3A_66 = arith.muli %min3A_64, %mul3A_65 : i32
      %dma_start3A = tpu.memref_slice %arg2[%mul3A_66] : memref<640000xi32, #tpu.memory_space<hbm>> -> memref<128xi32, #tpu.memory_space<hbm>>
      %dma_start3A_67 = tpu.memref_slice %arg2[%mul3A_66] : memref<640000xi32, #tpu.memory_space<hbm>> -> memref<128xi32, #tpu.memory_space<hbm>>
      tpu.enqueue_dma source(%dma_start3A_67 : memref<128xi32, #tpu.memory_space<hbm>>) target(%arg8 : memref<128xi32, #tpu.memory_space<vmem>>) target_semaphore(%arg14 : memref<!tpu.dma_semaphore, #tpu.memory_space<semaphore_mem>>)
      %add3A_68 = arith.constant 1 : i32
      %add3A_69 = arith.addi %mul3A_57, %add3A_68 : i32
      %mul3A_70 = arith.constant 32 : i32
      %mul3A_71 = arith.muli %add3A_69, %mul3A_70 : i32
      %add3A_72 = arith.addi %add3A, %mul3A_71 : i32
      %min3A_73 = arith.constant 2499 : i32
      %min3A_74 = arith.minsi %add3A_72, %min3A_73 : i32
      %mul3A_75 = arith.constant 128 : i32
      %mul3A_76 = arith.muli %min3A_74, %mul3A_75 : i32
      %add3A_77 = arith.constant 320000 : i32
      %add3A_78 = arith.addi %add3A_77, %mul3A_76 : i32
      %dma_start3A_79 = tpu.memref_slice %arg2[%add3A_78] : memref<640000xi32, #tpu.memory_space<hbm>> -> memref<128xi32, #tpu.memory_space<hbm>>
      %dma_start3A_80 = tpu.memref_slice %arg2[%add3A_78] : memref<640000xi32, #tpu.memory_space<hbm>> -> memref<128xi32, #tpu.memory_space<hbm>>
      tpu.enqueue_dma source(%dma_start3A_80 : memref<128xi32, #tpu.memory_space<hbm>>) target(%arg9 : memref<128xi32, #tpu.memory_space<vmem>>) target_semaphore(%arg14 : memref<!tpu.dma_semaphore, #tpu.memory_space<semaphore_mem>>)
      %dma_start3A_81 = arith.constant 0 : i32
      %dma_start3A_82 = arith.constant 0 : i32
      %dma_start3A_83 = tpu.memref_slice %arg3[%dma_start3A_81, %dma_start3A_82] : memref<10000x128xf32, #tpu.memory_space<hbm>> -> memref<10000x128xf32, #tpu.memory_space<hbm>>
      tpu.enqueue_indirect_dma source(%dma_start3A_83 : memref<10000x128xf32, #tpu.memory_space<hbm>>) target(%arg12 : memref<128x128xf32, #tpu.memory_space<vmem>>) offsets(%arg6 : memref<128xi32, #tpu.memory_space<vmem>>) semaphore(%arg15 : memref<!tpu.dma_semaphore, #tpu.memory_space<semaphore_mem>>)
      %dma_wait3A_84 = arith.constant 0 : i32
      %dma_wait3A_85 = arith.constant 0 : i32
      %dma_wait3A_86 = tpu.memref_slice %arg3[%dma_wait3A_84, %dma_wait3A_85] : memref<10000x128xf32, #tpu.memory_space<hbm>> -> memref<10000x128xf32, #tpu.memory_space<hbm>>
      tpu.wait_indirect_dma semaphore(%arg15 : memref<!tpu.dma_semaphore, #tpu.memory_space<semaphore_mem>>) src(%dma_wait3A_86 : memref<10000x128xf32, #tpu.memory_space<hbm>>) dst(%arg12 : memref<128x128xf32, #tpu.memory_space<vmem>>)
      %gt3A = arith.constant 0 : i32
      %gt3A_87 = arith.cmpi sgt, %scan3A_55, %gt3A : i32
      %convert_element_type3A_88 = arith.extui %gt3A_87 : i1 to i32
      %cond3A_89 = arith.constant 0 : i32
      %cond3A_90 = arith.cmpi ne, %convert_element_type3A_88, %cond3A_89 : i32
      scf.if %cond3A_90 {
        %dma_wait3A_259 = arith.constant 0 : i32
        %dma_wait3A_260 = arith.constant 0 : i32
        %dma_wait3A_261 = tpu.memref_slice %arg3[%dma_wait3A_259, %dma_wait3A_260] : memref<10000x128xf32, #tpu.memory_space<hbm>> -> memref<128x128xf32, #tpu.memory_space<hbm>>
        %dma_wait3A_262 = arith.constant 0 : i32
        %dma_wait3A_263 = arith.constant 0 : i32
        %dma_wait3A_264 = tpu.memref_slice %arg3[%dma_wait3A_262, %dma_wait3A_263] : memref<10000x128xf32, #tpu.memory_space<hbm>> -> memref<128x128xf32, #tpu.memory_space<hbm>>
        tpu.wait_dma2 semaphore(%arg16 : memref<!tpu.dma_semaphore, #tpu.memory_space<semaphore_mem>>) src(%dma_wait3A_264 : memref<128x128xf32, #tpu.memory_space<hbm>>) dst(%arg13 : memref<128x128xf32, #tpu.memory_space<vmem>>)
      } else {
      }
      %get3A = arith.constant 0 : index
      %get3A_91 = tpu.vector_load %arg7[%get3A] {strides = array<i32>} : memref<128xi32, #tpu.memory_space<vmem>>, vector<16xi32>,
      %get3A_92 = vector.shape_cast %get3A_91 : vector<16xi32> to vector<16xi32>
      %swap3A = arith.constant 0 : index
      %swap3A_93 = tpu.vector_load %arg10[%swap3A] {strides = array<i32>} : memref<128xi32, #tpu.memory_space<vmem>>, vector<16xi32>,
      %swap3A_94 = vector.shape_cast %swap3A_93 : vector<16xi32> to vector<16xi32>
      %swap3A_95 = vector.shape_cast %get3A_92 : vector<16xi32> to vector<16xi32>
      tpu.vector_store %arg10[%swap3A], %swap3A_95 {strides = array<i32>} : memref<128xi32, #tpu.memory_space<vmem>>, vector<16xi32>,
      %get3A_96 = arith.constant 16 : index
      %get3A_97 = tpu.vector_load %arg7[%get3A_96] {strides = array<i32>} : memref<128xi32, #tpu.memory_space<vmem>>, vector<16xi32>,
      %get3A_98 = vector.shape_cast %get3A_97 : vector<16xi32> to vector<16xi32>
      %swap3A_99 = arith.constant 16 : index
      %swap3A_100 = tpu.vector_load %arg10[%swap3A_99] {strides = array<i32>} : memref<128xi32, #tpu.memory_space<vmem>>, vector<16xi32>,
      %swap3A_101 = vector.shape_cast %swap3A_100 : vector<16xi32> to vector<16xi32>
      %swap3A_102 = vector.shape_cast %get3A_98 : vector<16xi32> to vector<16xi32>
      tpu.vector_store %arg10[%swap3A_99], %swap3A_102 {strides = array<i32>} : memref<128xi32, #tpu.memory_space<vmem>>, vector<16xi32>,
      %get3A_103 = arith.constant 32 : index
      %get3A_104 = tpu.vector_load %arg7[%get3A_103] {strides = array<i32>} : memref<128xi32, #tpu.memory_space<vmem>>, vector<16xi32>,
      %get3A_105 = vector.shape_cast %get3A_104 : vector<16xi32> to vector<16xi32>
      %swap3A_106 = arith.constant 32 : index
      %swap3A_107 = tpu.vector_load %arg10[%swap3A_106] {strides = array<i32>} : memref<128xi32, #tpu.memory_space<vmem>>, vector<16xi32>,
      %swap3A_108 = vector.shape_cast %swap3A_107 : vector<16xi32> to vector<16xi32>
      %swap3A_109 = vector.shape_cast %get3A_105 : vector<16xi32> to vector<16xi32>
      tpu.vector_store %arg10[%swap3A_106], %swap3A_109 {strides = array<i32>} : memref<128xi32, #tpu.memory_space<vmem>>, vector<16xi32>,
      %get3A_110 = arith.constant 48 : index
      %get3A_111 = tpu.vector_load %arg7[%get3A_110] {strides = array<i32>} : memref<128xi32, #tpu.memory_space<vmem>>, vector<16xi32>,
      %get3A_112 = vector.shape_cast %get3A_111 : vector<16xi32> to vector<16xi32>
      %swap3A_113 = arith.constant 48 : index
      %swap3A_114 = tpu.vector_load %arg10[%swap3A_113] {strides = array<i32>} : memref<128xi32, #tpu.memory_space<vmem>>, vector<16xi32>,
      %swap3A_115 = vector.shape_cast %swap3A_114 : vector<16xi32> to vector<16xi32>
      %swap3A_116 = vector.shape_cast %get3A_112 : vector<16xi32> to vector<16xi32>
      tpu.vector_store %arg10[%swap3A_113], %swap3A_116 {strides = array<i32>} : memref<128xi32, #tpu.memory_space<vmem>>, vector<16xi32>,
      %get3A_117 = arith.constant 64 : index
      %get3A_118 = tpu.vector_load %arg7[%get3A_117] {strides = array<i32>} : memref<128xi32, #tpu.memory_space<vmem>>, vector<16xi32>,
      %get3A_119 = vector.shape_cast %get3A_118 : vector<16xi32> to vector<16xi32>
      %swap3A_120 = arith.constant 64 : index
      %swap3A_121 = tpu.vector_load %arg10[%swap3A_120] {strides = array<i32>} : memref<128xi32, #tpu.memory_space<vmem>>, vector<16xi32>,
      %swap3A_122 = vector.shape_cast %swap3A_121 : vector<16xi32> to vector<16xi32>
      %swap3A_123 = vector.shape_cast %get3A_119 : vector<16xi32> to vector<16xi32>
      tpu.vector_store %arg10[%swap3A_120], %swap3A_123 {strides = array<i32>} : memref<128xi32, #tpu.memory_space<vmem>>, vector<16xi32>,
      %get3A_124 = arith.constant 80 : index
      %get3A_125 = tpu.vector_load %arg7[%get3A_124] {strides = array<i32>} : memref<128xi32, #tpu.memory_space<vmem>>, vector<16xi32>,
      %get3A_126 = vector.shape_cast %get3A_125 : vector<16xi32> to vector<16xi32>
      %swap3A_127 = arith.constant 80 : index
      %swap3A_128 = tpu.vector_load %arg10[%swap3A_127] {strides = array<i32>} : memref<128xi32, #tpu.memory_space<vmem>>, vector<16xi32>,
      %swap3A_129 = vector.shape_cast %swap3A_128 : vector<16xi32> to vector<16xi32>
      %swap3A_130 = vector.shape_cast %get3A_126 : vector<16xi32> to vector<16xi32>
      tpu.vector_store %arg10[%swap3A_127], %swap3A_130 {strides = array<i32>} : memref<128xi32, #tpu.memory_space<vmem>>, vector<16xi32>,
      %get3A_131 = arith.constant 96 : index
      %get3A_132 = tpu.vector_load %arg7[%get3A_131] {strides = array<i32>} : memref<128xi32, #tpu.memory_space<vmem>>, vector<16xi32>,
      %get3A_133 = vector.shape_cast %get3A_132 : vector<16xi32> to vector<16xi32>
      %swap3A_134 = arith.constant 96 : index
      %swap3A_135 = tpu.vector_load %arg10[%swap3A_134] {strides = array<i32>} : memref<128xi32, #tpu.memory_space<vmem>>, vector<16xi32>,
      %swap3A_136 = vector.shape_cast %swap3A_135 : vector<16xi32> to vector<16xi32>
      %swap3A_137 = vector.shape_cast %get3A_133 : vector<16xi32> to vector<16xi32>
      tpu.vector_store %arg10[%swap3A_134], %swap3A_137 {strides = array<i32>} : memref<128xi32, #tpu.memory_space<vmem>>, vector<16xi32>,
      %get3A_138 = arith.constant 112 : index
      %get3A_139 = tpu.vector_load %arg7[%get3A_138] {strides = array<i32>} : memref<128xi32, #tpu.memory_space<vmem>>, vector<16xi32>,
      %get3A_140 = vector.shape_cast %get3A_139 : vector<16xi32> to vector<16xi32>
      %swap3A_141 = arith.constant 112 : index
      %swap3A_142 = tpu.vector_load %arg10[%swap3A_141] {strides = array<i32>} : memref<128xi32, #tpu.memory_space<vmem>>, vector<16xi32>,
      %swap3A_143 = vector.shape_cast %swap3A_142 : vector<16xi32> to vector<16xi32>
      %swap3A_144 = vector.shape_cast %get3A_140 : vector<16xi32> to vector<16xi32>
      tpu.vector_store %arg10[%swap3A_141], %swap3A_144 {strides = array<i32>} : memref<128xi32, #tpu.memory_space<vmem>>, vector<16xi32>,
      %dma_start3A_145 = arith.constant 0 : i32
      %dma_start3A_146 = arith.constant 0 : i32
      %dma_start3A_147 = tpu.memref_slice %arg5[%dma_start3A_145, %dma_start3A_146] : memref<10240x128xf32, #tpu.memory_space<vmem_shared>> -> memref<10240x128xf32, #tpu.memory_space<vmem_shared>>
      tpu.enqueue_indirect_dma source(%arg12 : memref<128x128xf32, #tpu.memory_space<vmem>>) target(%dma_start3A_147 : memref<10240x128xf32, #tpu.memory_space<vmem_shared>>) offsets(%arg10 : memref<128xi32, #tpu.memory_space<vmem>>) semaphore(%arg16 : memref<!tpu.dma_semaphore, #tpu.memory_space<semaphore_mem>>) {add = true}
      %dma_wait3A_148 = arith.constant 0 : i32
      %dma_wait3A_149 = tpu.memref_slice %arg2[%dma_wait3A_148] : memref<640000xi32, #tpu.memory_space<hbm>> -> memref<128xi32, #tpu.memory_space<hbm>>
      %dma_wait3A_150 = arith.constant 0 : i32
      %dma_wait3A_151 = tpu.memref_slice %arg2[%dma_wait3A_150] : memref<640000xi32, #tpu.memory_space<hbm>> -> memref<128xi32, #tpu.memory_space<hbm>>
      tpu.wait_dma2 semaphore(%arg14 : memref<!tpu.dma_semaphore, #tpu.memory_space<semaphore_mem>>) src(%dma_wait3A_151 : memref<128xi32, #tpu.memory_space<hbm>>) dst(%arg8 : memref<128xi32, #tpu.memory_space<vmem>>)
      %dma_wait3A_152 = arith.constant 0 : i32
      %dma_wait3A_153 = tpu.memref_slice %arg2[%dma_wait3A_152] : memref<640000xi32, #tpu.memory_space<hbm>> -> memref<128xi32, #tpu.memory_space<hbm>>
      %dma_wait3A_154 = arith.constant 0 : i32
      %dma_wait3A_155 = tpu.memref_slice %arg2[%dma_wait3A_154] : memref<640000xi32, #tpu.memory_space<hbm>> -> memref<128xi32, #tpu.memory_space<hbm>>
      tpu.wait_dma2 semaphore(%arg14 : memref<!tpu.dma_semaphore, #tpu.memory_space<semaphore_mem>>) src(%dma_wait3A_155 : memref<128xi32, #tpu.memory_space<hbm>>) dst(%arg9 : memref<128xi32, #tpu.memory_space<vmem>>)
      %add3A_156 = arith.constant 2 : i32
      %add3A_157 = arith.addi %mul3A_57, %add3A_156 : i32
      %mul3A_158 = arith.constant 32 : i32
      %mul3A_159 = arith.muli %add3A_157, %mul3A_158 : i32
      %add3A_160 = arith.addi %add3A, %mul3A_159 : i32
      %min3A_161 = arith.constant 2499 : i32
      %min3A_162 = arith.minsi %add3A_160, %min3A_161 : i32
      %mul3A_163 = arith.constant 128 : i32
      %mul3A_164 = arith.muli %min3A_162, %mul3A_163 : i32
      %dma_start3A_165 = tpu.memref_slice %arg2[%mul3A_164] : memref<640000xi32, #tpu.memory_space<hbm>> -> memref<128xi32, #tpu.memory_space<hbm>>
      %dma_start3A_166 = tpu.memref_slice %arg2[%mul3A_164] : memref<640000xi32, #tpu.memory_space<hbm>> -> memref<128xi32, #tpu.memory_space<hbm>>
      tpu.enqueue_dma source(%dma_start3A_166 : memref<128xi32, #tpu.memory_space<hbm>>) target(%arg6 : memref<128xi32, #tpu.memory_space<vmem>>) target_semaphore(%arg14 : memref<!tpu.dma_semaphore, #tpu.memory_space<semaphore_mem>>)
      %add3A_167 = arith.constant 2 : i32
      %add3A_168 = arith.addi %mul3A_57, %add3A_167 : i32
      %mul3A_169 = arith.constant 32 : i32
      %mul3A_170 = arith.muli %add3A_168, %mul3A_169 : i32
      %add3A_171 = arith.addi %add3A, %mul3A_170 : i32
      %min3A_172 = arith.constant 2499 : i32
      %min3A_173 = arith.minsi %add3A_171, %min3A_172 : i32
      %mul3A_174 = arith.constant 128 : i32
      %mul3A_175 = arith.muli %min3A_173, %mul3A_174 : i32
      %add3A_176 = arith.constant 320000 : i32
      %add3A_177 = arith.addi %add3A_176, %mul3A_175 : i32
      %dma_start3A_178 = tpu.memref_slice %arg2[%add3A_177] : memref<640000xi32, #tpu.memory_space<hbm>> -> memref<128xi32, #tpu.memory_space<hbm>>
      %dma_start3A_179 = tpu.memref_slice %arg2[%add3A_177] : memref<640000xi32, #tpu.memory_space<hbm>> -> memref<128xi32, #tpu.memory_space<hbm>>
      tpu.enqueue_dma source(%dma_start3A_179 : memref<128xi32, #tpu.memory_space<hbm>>) target(%arg7 : memref<128xi32, #tpu.memory_space<vmem>>) target_semaphore(%arg14 : memref<!tpu.dma_semaphore, #tpu.memory_space<semaphore_mem>>)
      %dma_start3A_180 = arith.constant 0 : i32
      %dma_start3A_181 = arith.constant 0 : i32
      %dma_start3A_182 = tpu.memref_slice %arg3[%dma_start3A_180, %dma_start3A_181] : memref<10000x128xf32, #tpu.memory_space<hbm>> -> memref<10000x128xf32, #tpu.memory_space<hbm>>
      tpu.enqueue_indirect_dma source(%dma_start3A_182 : memref<10000x128xf32, #tpu.memory_space<hbm>>) target(%arg13 : memref<128x128xf32, #tpu.memory_space<vmem>>) offsets(%arg8 : memref<128xi32, #tpu.memory_space<vmem>>) semaphore(%arg15 : memref<!tpu.dma_semaphore, #tpu.memory_space<semaphore_mem>>)
      %dma_wait3A_183 = arith.constant 0 : i32
      %dma_wait3A_184 = arith.constant 0 : i32
      %dma_wait3A_185 = tpu.memref_slice %arg3[%dma_wait3A_183, %dma_wait3A_184] : memref<10000x128xf32, #tpu.memory_space<hbm>> -> memref<10000x128xf32, #tpu.memory_space<hbm>>
      tpu.wait_indirect_dma semaphore(%arg15 : memref<!tpu.dma_semaphore, #tpu.memory_space<semaphore_mem>>) src(%dma_wait3A_185 : memref<10000x128xf32, #tpu.memory_space<hbm>>) dst(%arg13 : memref<128x128xf32, #tpu.memory_space<vmem>>)
      %dma_wait3A_186 = arith.constant 0 : i32
      %dma_wait3A_187 = arith.constant 0 : i32
      %dma_wait3A_188 = tpu.memref_slice %arg3[%dma_wait3A_186, %dma_wait3A_187] : memref<10000x128xf32, #tpu.memory_space<hbm>> -> memref<128x128xf32, #tpu.memory_space<hbm>>
      %dma_wait3A_189 = arith.constant 0 : i32
      %dma_wait3A_190 = arith.constant 0 : i32
      %dma_wait3A_191 = tpu.memref_slice %arg3[%dma_wait3A_189, %dma_wait3A_190] : memref<10000x128xf32, #tpu.memory_space<hbm>> -> memref<128x128xf32, #tpu.memory_space<hbm>>
      tpu.wait_dma2 semaphore(%arg16 : memref<!tpu.dma_semaphore, #tpu.memory_space<semaphore_mem>>) src(%dma_wait3A_191 : memref<128x128xf32, #tpu.memory_space<hbm>>) dst(%arg12 : memref<128x128xf32, #tpu.memory_space<vmem>>)
      %get3A_192 = arith.constant 0 : index
      %get3A_193 = tpu.vector_load %arg9[%get3A_192] {strides = array<i32>} : memref<128xi32, #tpu.memory_space<vmem>>, vector<16xi32>,
      %get3A_194 = vector.shape_cast %get3A_193 : vector<16xi32> to vector<16xi32>
      %swap3A_195 = arith.constant 0 : index
      %swap3A_196 = tpu.vector_load %arg11[%swap3A_195] {strides = array<i32>} : memref<128xi32, #tpu.memory_space<vmem>>, vector<16xi32>,
      %swap3A_197 = vector.shape_cast %swap3A_196 : vector<16xi32> to vector<16xi32>
      %swap3A_198 = vector.shape_cast %get3A_194 : vector<16xi32> to vector<16xi32>
      tpu.vector_store %arg11[%swap3A_195], %swap3A_198 {strides = array<i32>} : memref<128xi32, #tpu.memory_space<vmem>>, vector<16xi32>,
      %get3A_199 = arith.constant 16 : index
      %get3A_200 = tpu.vector_load %arg9[%get3A_199] {strides = array<i32>} : memref<128xi32, #tpu.memory_space<vmem>>, vector<16xi32>,
      %get3A_201 = vector.shape_cast %get3A_200 : vector<16xi32> to vector<16xi32>
      %swap3A_202 = arith.constant 16 : index
      %swap3A_203 = tpu.vector_load %arg11[%swap3A_202] {strides = array<i32>} : memref<128xi32, #tpu.memory_space<vmem>>, vector<16xi32>,
      %swap3A_204 = vector.shape_cast %swap3A_203 : vector<16xi32> to vector<16xi32>
      %swap3A_205 = vector.shape_cast %get3A_201 : vector<16xi32> to vector<16xi32>
      tpu.vector_store %arg11[%swap3A_202], %swap3A_205 {strides = array<i32>} : memref<128xi32, #tpu.memory_space<vmem>>, vector<16xi32>,
      %get3A_206 = arith.constant 32 : index
      %get3A_207 = tpu.vector_load %arg9[%get3A_206] {strides = array<i32>} : memref<128xi32, #tpu.memory_space<vmem>>, vector<16xi32>,
      %get3A_208 = vector.shape_cast %get3A_207 : vector<16xi32> to vector<16xi32>
      %swap3A_209 = arith.constant 32 : index
      %swap3A_210 = tpu.vector_load %arg11[%swap3A_209] {strides = array<i32>} : memref<128xi32, #tpu.memory_space<vmem>>, vector<16xi32>,
      %swap3A_211 = vector.shape_cast %swap3A_210 : vector<16xi32> to vector<16xi32>
      %swap3A_212 = vector.shape_cast %get3A_208 : vector<16xi32> to vector<16xi32>
      tpu.vector_store %arg11[%swap3A_209], %swap3A_212 {strides = array<i32>} : memref<128xi32, #tpu.memory_space<vmem>>, vector<16xi32>,
      %get3A_213 = arith.constant 48 : index
      %get3A_214 = tpu.vector_load %arg9[%get3A_213] {strides = array<i32>} : memref<128xi32, #tpu.memory_space<vmem>>, vector<16xi32>,
      %get3A_215 = vector.shape_cast %get3A_214 : vector<16xi32> to vector<16xi32>
      %swap3A_216 = arith.constant 48 : index
      %swap3A_217 = tpu.vector_load %arg11[%swap3A_216] {strides = array<i32>} : memref<128xi32, #tpu.memory_space<vmem>>, vector<16xi32>,
      %swap3A_218 = vector.shape_cast %swap3A_217 : vector<16xi32> to vector<16xi32>
      %swap3A_219 = vector.shape_cast %get3A_215 : vector<16xi32> to vector<16xi32>
      tpu.vector_store %arg11[%swap3A_216], %swap3A_219 {strides = array<i32>} : memref<128xi32, #tpu.memory_space<vmem>>, vector<16xi32>,
      %get3A_220 = arith.constant 64 : index
      %get3A_221 = tpu.vector_load %arg9[%get3A_220] {strides = array<i32>} : memref<128xi32, #tpu.memory_space<vmem>>, vector<16xi32>,
      %get3A_222 = vector.shape_cast %get3A_221 : vector<16xi32> to vector<16xi32>
      %swap3A_223 = arith.constant 64 : index
      %swap3A_224 = tpu.vector_load %arg11[%swap3A_223] {strides = array<i32>} : memref<128xi32, #tpu.memory_space<vmem>>, vector<16xi32>,
      %swap3A_225 = vector.shape_cast %swap3A_224 : vector<16xi32> to vector<16xi32>
      %swap3A_226 = vector.shape_cast %get3A_222 : vector<16xi32> to vector<16xi32>
      tpu.vector_store %arg11[%swap3A_223], %swap3A_226 {strides = array<i32>} : memref<128xi32, #tpu.memory_space<vmem>>, vector<16xi32>,
      %get3A_227 = arith.constant 80 : index
      %get3A_228 = tpu.vector_load %arg9[%get3A_227] {strides = array<i32>} : memref<128xi32, #tpu.memory_space<vmem>>, vector<16xi32>,
      %get3A_229 = vector.shape_cast %get3A_228 : vector<16xi32> to vector<16xi32>
      %swap3A_230 = arith.constant 80 : index
      %swap3A_231 = tpu.vector_load %arg11[%swap3A_230] {strides = array<i32>} : memref<128xi32, #tpu.memory_space<vmem>>, vector<16xi32>,
      %swap3A_232 = vector.shape_cast %swap3A_231 : vector<16xi32> to vector<16xi32>
      %swap3A_233 = vector.shape_cast %get3A_229 : vector<16xi32> to vector<16xi32>
      tpu.vector_store %arg11[%swap3A_230], %swap3A_233 {strides = array<i32>} : memref<128xi32, #tpu.memory_space<vmem>>, vector<16xi32>,
      %get3A_234 = arith.constant 96 : index
      %get3A_235 = tpu.vector_load %arg9[%get3A_234] {strides = array<i32>} : memref<128xi32, #tpu.memory_space<vmem>>, vector<16xi32>,
      %get3A_236 = vector.shape_cast %get3A_235 : vector<16xi32> to vector<16xi32>
      %swap3A_237 = arith.constant 96 : index
      %swap3A_238 = tpu.vector_load %arg11[%swap3A_237] {strides = array<i32>} : memref<128xi32, #tpu.memory_space<vmem>>, vector<16xi32>,
      %swap3A_239 = vector.shape_cast %swap3A_238 : vector<16xi32> to vector<16xi32>
      %swap3A_240 = vector.shape_cast %get3A_236 : vector<16xi32> to vector<16xi32>
      tpu.vector_store %arg11[%swap3A_237], %swap3A_240 {strides = array<i32>} : memref<128xi32, #tpu.memory_space<vmem>>, vector<16xi32>,
      %get3A_241 = arith.constant 112 : index
      %get3A_242 = tpu.vector_load %arg9[%get3A_241] {strides = array<i32>} : memref<128xi32, #tpu.memory_space<vmem>>, vector<16xi32>,
      %get3A_243 = vector.shape_cast %get3A_242 : vector<16xi32> to vector<16xi32>
      %swap3A_244 = arith.constant 112 : index
      %swap3A_245 = tpu.vector_load %arg11[%swap3A_244] {strides = array<i32>} : memref<128xi32, #tpu.memory_space<vmem>>, vector<16xi32>,
      %swap3A_246 = vector.shape_cast %swap3A_245 : vector<16xi32> to vector<16xi32>
      %swap3A_247 = vector.shape_cast %get3A_243 : vector<16xi32> to vector<16xi32>
      tpu.vector_store %arg11[%swap3A_244], %swap3A_247 {strides = array<i32>} : memref<128xi32, #tpu.memory_space<vmem>>, vector<16xi32>,
      %dma_start3A_248 = arith.constant 0 : i32
      %dma_start3A_249 = arith.constant 0 : i32
      %dma_start3A_250 = tpu.memref_slice %arg5[%dma_start3A_248, %dma_start3A_249] : memref<10240x128xf32, #tpu.memory_space<vmem_shared>> -> memref<10240x128xf32, #tpu.memory_space<vmem_shared>>
      tpu.enqueue_indirect_dma source(%arg13 : memref<128x128xf32, #tpu.memory_space<vmem>>) target(%dma_start3A_250 : memref<10240x128xf32, #tpu.memory_space<vmem_shared>>) offsets(%arg11 : memref<128xi32, #tpu.memory_space<vmem>>) semaphore(%arg16 : memref<!tpu.dma_semaphore, #tpu.memory_space<semaphore_mem>>) {add = true}
      %dma_wait3A_251 = arith.constant 0 : i32
      %dma_wait3A_252 = tpu.memref_slice %arg2[%dma_wait3A_251] : memref<640000xi32, #tpu.memory_space<hbm>> -> memref<128xi32, #tpu.memory_space<hbm>>
      %dma_wait3A_253 = arith.constant 0 : i32
      %dma_wait3A_254 = tpu.memref_slice %arg2[%dma_wait3A_253] : memref<640000xi32, #tpu.memory_space<hbm>> -> memref<128xi32, #tpu.memory_space<hbm>>
      tpu.wait_dma2 semaphore(%arg14 : memref<!tpu.dma_semaphore, #tpu.memory_space<semaphore_mem>>) src(%dma_wait3A_254 : memref<128xi32, #tpu.memory_space<hbm>>) dst(%arg6 : memref<128xi32, #tpu.memory_space<vmem>>)
      %dma_wait3A_255 = arith.constant 0 : i32
      %dma_wait3A_256 = tpu.memref_slice %arg2[%dma_wait3A_255] : memref<640000xi32, #tpu.memory_space<hbm>> -> memref<128xi32, #tpu.memory_space<hbm>>
      %dma_wait3A_257 = arith.constant 0 : i32
      %dma_wait3A_258 = tpu.memref_slice %arg2[%dma_wait3A_257] : memref<640000xi32, #tpu.memory_space<hbm>> -> memref<128xi32, #tpu.memory_space<hbm>>
      tpu.wait_dma2 semaphore(%arg14 : memref<!tpu.dma_semaphore, #tpu.memory_space<semaphore_mem>>) src(%dma_wait3A_258 : memref<128xi32, #tpu.memory_space<hbm>>) dst(%arg7 : memref<128xi32, #tpu.memory_space<vmem>>)
    }
    %scan3A_42 = arith.constant 39 : i32
    %dma_wait3A = arith.constant 0 : i32
    %dma_wait3A_43 = arith.constant 0 : i32
    %dma_wait3A_44 = tpu.memref_slice %arg3[%dma_wait3A, %dma_wait3A_43] : memref<10000x128xf32, #tpu.memory_space<hbm>> -> memref<128x128xf32, #tpu.memory_space<hbm>>
    %dma_wait3A_45 = arith.constant 0 : i32
    %dma_wait3A_46 = arith.constant 0 : i32
    %dma_wait3A_47 = tpu.memref_slice %arg3[%dma_wait3A_45, %dma_wait3A_46] : memref<10000x128xf32, #tpu.memory_space<hbm>> -> memref<128x128xf32, #tpu.memory_space<hbm>>
    tpu.wait_dma2 semaphore(%arg16 : memref<!tpu.dma_semaphore, #tpu.memory_space<semaphore_mem>>) src(%dma_wait3A_47 : memref<128x128xf32, #tpu.memory_space<hbm>>) dst(%arg13 : memref<128x128xf32, #tpu.memory_space<vmem>>)
    %lt3A = arith.constant 4 : i32
    %lt3A_48 = arith.cmpi slt, %add3A, %lt3A : i32
    %convert_element_type3A = arith.extui %lt3A_48 : i1 to i32
    %cond3A = arith.constant 0 : i32
    %cond3A_49 = arith.cmpi ne, %convert_element_type3A, %cond3A : i32
    scf.if %cond3A_49 {
      %dma_start3A = arith.constant 0 : i32
      %dma_start3A_55 = arith.constant 0 : i32
      %dma_start3A_56 = tpu.memref_slice %arg3[%dma_start3A, %dma_start3A_55] : memref<10000x128xf32, #tpu.memory_space<hbm>> -> memref<10000x128xf32, #tpu.memory_space<hbm>>
      tpu.enqueue_indirect_dma source(%dma_start3A_56 : memref<10000x128xf32, #tpu.memory_space<hbm>>) target(%arg12 : memref<128x128xf32, #tpu.memory_space<vmem>>) offsets(%arg6 : memref<128xi32, #tpu.memory_space<vmem>>) semaphore(%arg15 : memref<!tpu.dma_semaphore, #tpu.memory_space<semaphore_mem>>)
      %dma_wait3A_57 = arith.constant 0 : i32
      %dma_wait3A_58 = arith.constant 0 : i32
      %dma_wait3A_59 = tpu.memref_slice %arg3[%dma_wait3A_57, %dma_wait3A_58] : memref<10000x128xf32, #tpu.memory_space<hbm>> -> memref<10000x128xf32, #tpu.memory_space<hbm>>
      tpu.wait_indirect_dma semaphore(%arg15 : memref<!tpu.dma_semaphore, #tpu.memory_space<semaphore_mem>>) src(%dma_wait3A_59 : memref<10000x128xf32, #tpu.memory_space<hbm>>) dst(%arg12 : memref<128x128xf32, #tpu.memory_space<vmem>>)
      "tpu.region"() ({
        %run_scoped3A = tpu.sem_alloc : memref<!tpu.dma_semaphore, #tpu.memory_space<semaphore_mem>>
        %dma_start3A_60 = arith.constant 0 : i32
        %dma_start3A_61 = arith.constant 0 : i32
        %dma_start3A_62 = tpu.memref_slice %arg5[%dma_start3A_60, %dma_start3A_61] : memref<10240x128xf32, #tpu.memory_space<vmem_shared>> -> memref<10240x128xf32, #tpu.memory_space<vmem_shared>>
        tpu.enqueue_indirect_dma source(%arg12 : memref<128x128xf32, #tpu.memory_space<vmem>>) target(%dma_start3A_62 : memref<10240x128xf32, #tpu.memory_space<vmem_shared>>) offsets(%arg7 : memref<128xi32, #tpu.memory_space<vmem>>) semaphore(%run_scoped3A : memref<!tpu.dma_semaphore, #tpu.memory_space<semaphore_mem>>) {add = true}
        %dma_wait3A_63 = arith.constant 0 : i32
        %dma_wait3A_64 = arith.constant 0 : i32
        %dma_wait3A_65 = tpu.memref_slice %arg5[%dma_wait3A_63, %dma_wait3A_64] : memref<10240x128xf32, #tpu.memory_space<vmem_shared>> -> memref<10240x128xf32, #tpu.memory_space<vmem_shared>>
        tpu.wait_indirect_dma semaphore(%run_scoped3A : memref<!tpu.dma_semaphore, #tpu.memory_space<semaphore_mem>>) src(%arg12 : memref<128x128xf32, #tpu.memory_space<vmem>>) dst(%dma_wait3A_65 : memref<10240x128xf32, #tpu.memory_space<vmem_shared>>)
        tpu.yield
      }) : () -> ()
    } else {
    }
    %barrier3A_50 = arith.constant 0 : index
    tpu.barrier barrier_id(%barrier3A_50)
    %mul3A_51 = arith.constant 640 : i32
    %mul3A_52 = arith.muli %arg1, %mul3A_51 : i32
    %mul3A_53 = arith.constant 640 : i32
    %mul3A_54 = arith.muli %arg1, %mul3A_53 : i32
    "tpu.region"() ({
      %run_scoped3A = tpu.sem_alloc : memref<!tpu.dma_semaphore, #tpu.memory_space<semaphore_mem>>
      %dma_start3A = arith.constant 0 : i32
      %dma_start3A_55 = tpu.memref_slice %arg4[%arg0, %mul3A_54, %dma_start3A] : memref<2x10240x128xf32, #tpu.memory_space<hbm>> -> memref<1x640x128xf32, #tpu.memory_space<hbm>>
      %dma_start3A_56 = tpu.memref_squeeze %dma_start3A_55 : memref<1x640x128xf32, #tpu.memory_space<hbm>> -> memref<640x128xf32, #tpu.memory_space<hbm>>
      %dma_start3A_57 = arith.constant 0 : i32
      %dma_start3A_58 = tpu.memref_slice %arg5[%mul3A_52, %dma_start3A_57] : memref<10240x128xf32, #tpu.memory_space<vmem_shared>> -> memref<640x128xf32, #tpu.memory_space<vmem_shared>>
      tpu.enqueue_dma source(%dma_start3A_58 : memref<640x128xf32, #tpu.memory_space<vmem_shared>>) target(%dma_start3A_56 : memref<640x128xf32, #tpu.memory_space<hbm>>) target_semaphore(%run_scoped3A : memref<!tpu.dma_semaphore, #tpu.memory_space<semaphore_mem>>)
      %dma_wait3A_59 = arith.constant 0 : i32
      %dma_wait3A_60 = tpu.memref_slice %arg4[%arg0, %mul3A_54, %dma_wait3A_59] : memref<2x10240x128xf32, #tpu.memory_space<hbm>> -> memref<1x640x128xf32, #tpu.memory_space<hbm>>
      %dma_wait3A_61 = tpu.memref_squeeze %dma_wait3A_60 : memref<1x640x128xf32, #tpu.memory_space<hbm>> -> memref<640x128xf32, #tpu.memory_space<hbm>>
      %dma_wait3A_62 = arith.constant 0 : i32
      %dma_wait3A_63 = tpu.memref_slice %arg5[%mul3A_52, %dma_wait3A_62] : memref<10240x128xf32, #tpu.memory_space<vmem_shared>> -> memref<640x128xf32, #tpu.memory_space<vmem_shared>>
      tpu.wait_dma2 semaphore(%run_scoped3A : memref<!tpu.dma_semaphore, #tpu.memory_space<semaphore_mem>>) src(%dma_wait3A_63 : memref<640x128xf32, #tpu.memory_space<vmem_shared>>) dst(%dma_wait3A_61 : memref<640x128xf32, #tpu.memory_space<hbm>>)
      tpu.yield
    }) : () -> ()
    return
  }
}

</mosaic_0001>

<sc_bundles>
// kernel: _sc_scatter.3.cloned.1.call-start
scs
__scs_entry_jumppad:
0x0: {  	(pc) =	sbr.rel $0x88, $3  }
0x1: {  	(tag) =	ssettag $0x0;
	lr =	simm.s32 $0x1  }
0x2: {  	[smem:$0x3F9F] =	sst lr;
	_ =	strace $0xD0000000  }
0x3: {  	_ = 	snop  }
0x4: {  	_ = 	snop  }
0x5: {  	_ = 	snop  }
0x6: {  	_ = 	snop  }
0x7: {  	_ = 	snop  }
__scs_overlays_trampoline_lowered:
0x8: {  	[smem:$0x3FAE] =	sst s0  }
0x9: {  	[smem:$0x3FAF] =	sst s1  }
0xa: {  	[smem:$0x3FB0] =	sst s2  }
0xb: {  	[smem:$0x3FB1] =	sst s3  }
0xc: {  	[smem:$0x3FB2] =	sst s4  }
0xd: {  	[smem:$0x3FB3] =	sst s5  }
0xe: {  	[smem:$0x3FB4] =	sst s6  }
0xf: {  	[smem:$0x3FB5] =	sst s7  }
0x10: {  	[smem:$0x3FB6] =	sst s8  }
0x11: {  	[smem:$0x3FB7] =	sst s9;
	s0 =	simm.s32 @!p0 $0x0  }
0x12: {  	s1 =	sld [smem:$0x3F9D];
	s0 =	simm.s32 @p0 $0x1  }
0x13: {  	[smem:$0x3FB8] =	sst s0;
	s0 =	simm.s32 @!p1 $0x0  }
0x14: {  	s2 =	sld [smem:$0x3F9C];
	s0 =	simm.s32 @p1 $0x1  }
0x15: {  	[smem:$0x3FB9] =	sst s0;
	s0 =	simm.s32 @!p2 $0x0  }
0x16: {  	s3 =	sld [smem:$0x3FDB];
	s0 =	simm.s32 @p2 $0x1  }
0x17: {  	s4 =	simm.s32 $0x1BF5;
	[smem:$0x3FBB] =	sst s0  }
0x18: {  	s0 =	sld [smem:$0x3F9E];
	_ =	swait.ge [sflag:s4], $0x0  }
0x19: {  	s7 =	sld [smem:$0x3F9F]  }
0x1a: {  	s8 =	sadd.s32 $0xFFFFE003, lr  }
0x1b: {  	s9 =	sadd.s32 $0xFFFFFEF7, lr;
	s5 =	simm.s32 $0xFFFFFFFF;
	p2 =	slt.u32 s8, $0xFFFFF086  }
0x1c: {  	p1 =	slt.u32 s9, $0xF7A;
	s5 =	simm.s32 @!p2 $0x0  }
0x1d: {  	s5 =	simm.s32 @p1 $0x1;
	p0 =	seq.s32 s7, s2  }
0x1e: {  	s7 =	smul.u32 @!p0 $0xF7A, s2;
	p2 =	seq.s32 @!p0 s5, $0x0  }
0x1f: {  	s9 =	smul.u32 $0xF7A, s1;
	s8 =	simm.s32 @!p0 $0x1BF5;
	p2 =	por !p2, p0  }
0x20: {  	[sflag:s8] =	ssyncset.s32 @!p0 $0xFFFFF086;
	s6 =	sadd.s32 @!p0 s3, s7;
	s7 =	simm.s32 @!p0 $0x108  }
0x21: {  	s3 =	sadd.s32 s3, s9;
	s6 =	sadd.s32 @!p0 $0x88, s6;
	s7 =	simm.s32 @p2 $0x1082  }
0x22: {  	[simem:s7], [sflag:s8] =	dma.local @!p0 [hbm:s6], $0xF7A  }
0x23: {  	s9 =	sor.u32 $0xD0000000, s2;
	s6 =	simm.s32 $0x108;
	_ =	swait.ge @!p0 [sflag:s8], $0x0  }
0x24: {  	s3 =	sadd.s32 $0x88, s3;
	s6 =	simm.s32 @!p1 $0x1082;
	[sflag:s4] =	ssyncset.s32 $0xFFFFF086  }
0x25: {  	[simem:s6], [sflag:s4] =	dma.local [hbm:s3], $0xF7A  }
0x26: {  	[smem:$0x3F9F] =	sst s1;
	(tag) =	ssettag s2;
	_ =	strace s9  }
0x27: {  	s1 =	sld [smem:$0x3FAF]  }
0x28: {  	s2 =	sld [smem:$0x3FB0]  }
0x29: {  	s4 =	sld [smem:$0x3FB2]  }
0x2a: {  	p0 =	seq.s32 s5, $0x0;
	s5 =	sld [smem:$0x3FB3]  }
0x2b: {  	s6 =	sld [smem:$0x3FB4]  }
0x2c: {  	s7 =	sld [smem:$0x3FB5]  }
0x2d: {  	s3 =	simm.s32 $0x108;
	s8 =	sld [smem:$0x3FB6]  }
0x2e: {  	s3 =	simm.s32 @!p0 $0x1082;
	s9 =	sld [smem:$0x3FB7]  }
0x2f: {  	lr =	sadd.s32 s0, s3;
	s0 =	sld [smem:$0x3FAE]  }
0x30: {  	s3 =	sld [smem:$0x3FB1]  }
0x31: {  	[smem:$0x3FBA] =	sst s10  }
0x32: {  	s10 =	sld [smem:$0x3FB8];
	_ =	sdelay $0x3  }
0x33: {  	p0 =	seq.s32 s10, $0x1;
	s10 =	sld [smem:$0x3FBA];
	_ =	sdelay $0x3  }
0x34: {  	[smem:$0x3FBA] =	sst s10  }
0x35: {  	s10 =	sld [smem:$0x3FB9];
	_ =	sdelay $0x3  }
0x36: {  	p1 =	seq.s32 s10, $0x1;
	s10 =	sld [smem:$0x3FBA];
	_ =	sdelay $0x3  }
0x37: {  	[smem:$0x3FBA] =	sst s10  }
0x38: {  	s10 =	sld [smem:$0x3FBB]  }
0x39: {  	_ = 	snop;
	(pc) =	sbr.ind lr, $3  }
0x3a: {  	_ = 	snop  }
0x3b: {  	_ = 	snop  }
0x3c: {  	p2 =	seq.s32 s10, $0x1;
	s10 =	sld [smem:$0x3FBA]  }
0x3d: {  	_ =	shalt  }
0x3e: {  	_ =	shalt  }
0x3f: {  	_ =	shalt  }
0x40: {  	_ =	shalt  }
0x41: {  	_ =	shalt  }
0x42: {  	_ =	shalt  }
0x43: {  	_ =	shalt  }
0x44: {  	_ =	shalt  }
0x45: {  	_ =	shalt  }
0x46: {  	_ =	shalt  }
0x47: {  	_ =	shalt  }
0x48: {  	_ =	shalt  }
0x49: {  	_ =	shalt  }
0x4a: {  	_ =	shalt  }
0x4b: {  	_ =	shalt  }
0x4c: {  	_ =	shalt  }
0x4d: {  	_ =	shalt  }
0x4e: {  	_ =	shalt  }
0x4f: {  	_ =	shalt  }
0x50: {  	_ =	shalt  }
0x51: {  	_ =	shalt  }
0x52: {  	_ =	shalt  }
0x53: {  	_ =	shalt  }
0x54: {  	_ =	shalt  }
0x55: {  	_ =	shalt  }
0x56: {  	_ =	shalt  }
0x57: {  	_ =	shalt  }
0x58: {  	_ =	shalt  }
0x59: {  	_ =	shalt  }
0x5a: {  	_ =	shalt  }
0x5b: {  	_ =	shalt  }
0x5c: {  	_ =	shalt  }
0x5d: {  	_ =	shalt  }
0x5e: {  	_ =	shalt  }
0x5f: {  	_ =	shalt  }
0x60: {  	_ =	shalt  }
0x61: {  	_ =	shalt  }
0x62: {  	_ =	shalt  }
0x63: {  	_ =	shalt  }
0x64: {  	_ =	shalt  }
0x65: {  	_ =	shalt  }
0x66: {  	_ =	shalt  }
0x67: {  	_ =	shalt  }
0x68: {  	_ =	shalt  }
0x69: {  	_ =	shalt  }
0x6a: {  	_ =	shalt  }
0x6b: {  	_ =	shalt  }
0x6c: {  	_ =	shalt  }
0x6d: {  	_ =	shalt  }
0x6e: {  	_ =	shalt  }
0x6f: {  	_ =	shalt  }
0x70: {  	_ =	shalt  }
0x71: {  	_ =	shalt  }
0x72: {  	_ =	shalt  }
0x73: {  	_ =	shalt  }
0x74: {  	_ =	shalt  }
0x75: {  	_ =	shalt  }
0x76: {  	_ =	shalt  }
0x77: {  	_ =	shalt  }
0x78: {  	_ =	shalt  }
0x79: {  	_ =	shalt  }
0x7a: {  	_ =	shalt  }
0x7b: {  	_ =	shalt  }
0x7c: {  	_ =	shalt  }
0x7d: {  	_ =	shalt  }
0x7e: {  	_ =	shalt  }
0x7f: {  	_ =	shalt  }
0x80: {  	_ =	shalt  }
0x81: {  	_ =	shalt  }
0x82: {  	_ =	shalt  }
0x83: {  	_ =	shalt  }
0x84: {  	_ =	shalt  }
0x85: {  	_ =	shalt  }
0x86: {  	_ =	shalt  }
0x87: {  	_ =	shalt  }
.Lfunc_end0:
.L_simem_size_0:
called_computation_lowered:
.L_overlay_start_0:
0x88: {  	s2 =	sld [smem:$0x3FD9]  }
0x89: {  	s3 =	sld [smem:$0x3FFE];
	_ =	sdelay $0x1  }
0x8a: {  	s1 =	srdreg.scid  }
0x8b: {  	s0 =	sand.u32 $0x1, s1  }
0x8c: {  	s18 =	sshll.u32 s0, $0xA;
	s2 =	sadd.s32 s3, s2  }
0x8d: {  	s2 =	sadd.s32 s2, s18  }
0x8e: {  	[smem:$0x3FC6] =	sst s2  }
0x8f: {  	_ = 	snop  }
0x90: {  	s2 =	sld [smem:$0x3FC9]  }
0x91: {  	s19 =	sld [smem:$0x3FC8]  }
0x92: {  	s4 =	sld [smem:$0x3FD0];
	(tm) =	ssettm $0x1  }
0x93: {  	s5 =	sld [smem:$0x3FFB];
	_ =	sdelay $0x3  }
0x94: {  	_ =	strace s5  }
0x95: {  	s5 =	sld [smem:$0x3FFC];
	_ =	sdelay $0x3  }
0x96: {  	_ =	strace s5  }
0x97: {  	s5 =	sld [smem:$0x3FFD];
	_ =	sdelay $0x3  }
0x98: {  	_ =	strace s5  }
0x99: {  	_ =	strace $0x8FFFFFFF  }
0x9a: {  	s20 =	sld [smem:$0x3FDB];
	_ =	sdelay $0x1  }
0x9b: {  	s6 =	simm.s32 $_scs_section_size  }
0x9c: {  	s7 =	simm.s32 $_size__tile_overlayer_lowered;
	s8 =	simm.s32 $_tile_overlayer_lowered  }
0x9d: {  	s23 =	simm.s32 $0x1BFF;
	s22 =	sshll.u32 s8, $0x1;
	s5 =	sadd.s32 s6, s20  }
0x9e: {  	s9 =	simm.s32 $0x0;
	s21 =	sshll.u32 s7, $0x1;
	s7 =	sadd.s32 s22, s5  }
0x9f: {  	[timem:s9], [sflag:s23] =	dma.local [hbm:s7], s21  }
0xa0: {  	_ =	swait.ge [sflag:s23], s21  }
0xa1: {  	s6 =	ssub.s32 $0x0, s21;
	[sflag:s23] =	ssyncset.done $0x0  }
0xa2: {  	[sflag:s23] =	ssyncadd.s32 s6;
	_ =	sdelay $0x1  }
0xa3: {  	s24 =	simm.s32 $0x1B8B  }
0xa4: {  	_ =	swait.ge [sflag:s24], $0x1  }
0xa5: {  	[sflag:s24] =	ssyncset.done $0x0  }
0xa6: {  	s25 =	simm.s32 $0x1B8E;
	[sflag:s24] =	ssyncadd.s32 $0xFFFFFFFF  }
0xa7: {  	s26 =	simm.s32 $execute0_lowered;
	[smem:$0x3FD2] =	sst s25  }
0xa8: {  	s6 =	sshll.u32 s26, $0x1;
	_ =	strace $0x80000046;
	[dreg:$0x1] =	wrdreg $0xFFFFFFFF  }
0xa9: {  	s28 =	simm.s32 $_size_execute0_lowered;
	s5 =	sadd.s32 s5, s6;
	[dreg:$0x0] =	wrdreg $0x0  }
0xaa: {  	s6 =	sshll.u32 s28, $0x1;
	[dreg:$0x2] =	wrdreg s5  }
0xab: {  	[dreg:$0x3] =	wrdreg s6  }
0xac: {  	[dreg:$0x4] =	wrdreg $0xC0  }
0xad: {  	_ =	task [dreg:s9], $0x5FFFF  }
0xae: {  	[dreg:$0x1] =	wrdreg $0xFFFFFFFF  }
0xaf: {  	[dreg:$0x0] =	wrdreg $0x60  }
0xb0: {  	[dreg:$0x2] =	wrdreg s2  }
0xb1: {  	[dreg:$0x3] =	wrdreg s19  }
0xb2: {  	[dreg:$0x4] =	wrdreg s4  }
0xb3: {  	[dreg:$0x5] =	wrdreg $0x0  }
0xb4: {  	[dreg:$0x6] =	wrdreg $0x9  }
0xb5: {  	_ =	task.clear_ibuf [dreg:s9], $0x7FFFF;
	_ =	strace $0x90000046  }
0xb6: {  	s29 =	simm.s32 $0x9;
	_ =	strace $0x80000048  }
0xb7: {  	_ =	swait.ge [sflag:s29], $0x1  }
0xb8: {  	[sflag:s29] =	ssyncadd.s32 $0xFFFFFFFF  }
0xb9: {  	_ =	strace $0x90000048  }
0xba: {  	_ =	sfence  }
0xbb: {  	s30 =	sld [smem:$0x0];
	_ =	sdelay $0x2  }
0xbc: {  	s31 =	sshll.u32 s1, $0xD;
	s1 =	sshrl.u32 s1, $0x2  }
0xbd: {  	s3 =	sand.u32 $0x4000, s31;
	s1 =	sadd.s32 s1, s30  }
0xbe: {  	s0 =	sor.u32 s3, s0;
	s1 =	sshll.u32 s1, $0x11  }
0xbf: {  	s0 =	sor.u32 s1, s0  }
0xc0: {  	s0 =	sadd.s32 $0x8F2B, s0  }
0xc1: {  	[sflag:s0] =	ssyncadd.remote.s32 $0x1  }
0xc2: {  	_ =	sfence.sel $0xFFFF  }
0xc3: {  	[dreg:$0x0] =	wrdreg $0xFFFFFFFF;
	(pc) =	sbr.abs _section_cstart, $3  }
0xc4: {  	[dreg:$0x1] =	wrdreg $0xFFFFFFFF  }
0xc5: {  	_ =	task.clear_ibuf [dreg:s9], $0x2FFFF;
	_ =	strace $0x9FFFFFFF  }
0xc6: {  	(tm) =	ssettm $0x7FFFFFFF  }
0xc7: {  	_ =	shalt  }
tec
execute0_lowered:
.L_overlay_start_1:
0x0: {  	(tag) =	ssettag $0x1  }
0x1: {  	s1 =	rddreg [dreg:$0x0]  }
0x2: {  	s2 =	rddreg [dreg:$0x1]  }
0x3: {  	s0 =	rddreg [dreg:$0x2]  }
0x4: {  	s4 =	rddreg [dreg:$0x3];
	s3 =	srdreg.scid  }
0x5: {  	s5 =	simm.s32 $0x0;
	s9 =	stileid.u32;
	s18 =	simm.s32 $0x14300  }
0x6: {  	s19 =	simm.s32 $0x4;
	s20 =	simm.s32 $0x14000;
	s28 =	simm.s32 $0x1  }
0x7: {  	s29 =	simm.s32 $0x18300;
	s30 =	simm.s32 $0x3;
	s31 =	simm.s32 $0x14280  }
0x8: {  	s3 =	sand.u32 $0x1, s3;
	[smem:$0x7FF] =	sst s5;
	s7 =	smul.u32 $0x50000, s9  }
0x9: {  	s21 =	sshll.u32 s9, $0x1;
	s13 =	smul.u32 $0x14000, s9;
	s12 =	sadd.s32 $0x9C40, s1  }
0xa: {  	s15 =	sshll.u32 s9, $0x5;
	p0 =	sgt.u32 s9, $0x1;
	s6 =	ssub.s32 $0x2, s3  }
0xb: {  	_ =	strace $0x80000047;
	s17 =	sor.u32 s3, s21;
	s22 =	smul.u32 $0x140000, s3  }
0xc: {  	s26 =	sadd.s32 s15, s1;
	s3 =	sshll.u32 s3, $0x4;
	s21 =	simm.s32 $0x14080  }
0xd: {  	s8 =	sshrl.u32 s6, $0x1;
	s7 =	sshrl.u32 s7, $0x2;
	s14 =	sshll.u32 s17, $0x4  }
0xe: {  	s16 =	sadd.s32 s3, s26;
	s8 =	ssub.s32 s6, s8;
	s6 =	sadd.s32 s7, s4  }
0xf: {  	s26 =	simm.s32 $0x14200;
	s11 =	sadd.s32 s1, s14;
	s10 =	sadd.s32 $0x4000, s6  }
0x10: {  	s7 =	sadd.s32 s13, s22;
	s23 =	sadd.s32 $0x8000, s6;
	[dreg:$0x5] =	wrdreg s10  }
0x11: {  	s13 =	sadd.s32 s14, s12;
	s24 =	sadd.s32 $0xC000, s6;
	[dreg:$0x6] =	wrdreg s23  }
0x12: {  	s22 =	simm.s32 $0x14100;
	s25 =	sadd.s32 $0x10000, s6;
	[dreg:$0x7] =	wrdreg s24  }
0x13: {  	s7 =	sshrl.u32 s7, $0x3;
	s15 =	smax.u32 s8, $0x1;
	[dreg:$0x8] =	wrdreg s25  }
0x14: {  	s14 =	sadd.s32 s0, s7;
	s7 =	sor.u32 $0x40, s17;
	s23 =	simm.s32 $0x14180  }
0x15: {  	v0 =	vimm.f32 $0.0e+00;
	s24 =	simm.s32 $0x80;
	s25 =	simm.s32 $0x2;
	s0 =	simm.s32 $0x0  }
.LBB2_1:
0x16: {  	s3 =	sand.u32 $0xFE00, s5  }
0x17: {  	s8 =	sand.u32 $0x70, s5;
	s17 =	sshrl.u32 s3, $0x2  }
0x18: {  	s3 =	simm.s32 $0x40;
	s8 =	sor.u32 s8, s17;
	s17 =	simm.s32 $0x0  }
.LBB2_2:
0x19: {  	p1 =	sne.s32 s3, $0xFFC0  }
0x1a: {  	[tilespmem:s8+$0x14300] =	vst v0;
	s17 =	sadd.s32 $0x10, s17;
	s8 =	smov.u32 s3;
	s3 =	sadd.s32 $0x40, s3  }
.Ltmp0:
0x1b: {  	(pc) =	sbr.rel @p1 .LBB2_2-.Ltmp0, $4  }
0x1c: {  	_ = 	snop  }
0x1d: {  	s8 =	sand.u32 $0xFE00, s8  }
0x1e: {  	s9 =	sand.u32 $0x70, s17;
	s8 =	sshrl.u32 s8, $0x2  }
0x1f: {  	s8 =	sor.u32 s9, s8  }
0x20: {  	[tilespmem:s8+$0x14300] =	vst v0  }
0x21: {  	[spmem:s6] =	stream.linear.scatter [tilespmem:s18], [sflag:$0x4], $0x4000, $0x38;
	[tilespmem:$0x1C300] =	vst v63  }
0x22: {  	_ =	swait.ge [sflag:s19], $0x4000  }
0x23: {  	[sflag:s19] =	ssyncset.done $0x0  }
0x24: {  	s3 =	rddreg [dreg:$0x5];
	[sflag:s19] =	ssyncadd.s32 $0xFFFFC000  }
0x25: {  	[spmem:s3] =	stream.linear.scatter [tilespmem:s18], [sflag:$0x4], $0x4000, $0x38;
	[tilespmem:$0x1C300] =	vst v63  }
0x26: {  	_ =	swait.ge [sflag:s19], $0x4000  }
0x27: {  	[sflag:s19] =	ssyncset.done $0x0  }
0x28: {  	s9 =	rddreg [dreg:$0x6];
	[sflag:s19] =	ssyncadd.s32 $0xFFFFC000  }
0x29: {  	[spmem:s9] =	stream.linear.scatter [tilespmem:s18], [sflag:$0x4], $0x4000, $0x38;
	[tilespmem:$0x1C300] =	vst v63  }
0x2a: {  	_ =	swait.ge [sflag:s19], $0x4000  }
0x2b: {  	[sflag:s19] =	ssyncset.done $0x0  }
0x2c: {  	s10 =	rddreg [dreg:$0x7];
	[sflag:s19] =	ssyncadd.s32 $0xFFFFC000  }
0x2d: {  	[spmem:s10] =	stream.linear.scatter [tilespmem:s18], [sflag:$0x4], $0x4000, $0x38;
	[tilespmem:$0x1C300] =	vst v63  }
0x2e: {  	_ =	swait.ge [sflag:s19], $0x4000  }
0x2f: {  	[sflag:s19] =	ssyncset.done $0x0  }
0x30: {  	s17 =	rddreg [dreg:$0x8];
	[sflag:s19] =	ssyncadd.s32 $0xFFFFC000  }
0x31: {  	[spmem:s17] =	stream.linear.scatter [tilespmem:s18], [sflag:$0x4], $0x4000, $0x38;
	[tilespmem:$0x1C300] =	vst v63  }
0x32: {  	_ =	swait.ge [sflag:s19], $0x4000  }
0x33: {  	[sflag:s19] =	ssyncset.done $0x0  }
0x34: {  	[sflag:s19] =	ssyncadd.s32 $0xFFFFC000  }
0x35: {  	s8 =	simm.s32 $0x0;
	[bflag:$0x0] =	sbarrier.arrive $0xFFFF  }
0x36: {  	[tilespmem:s20], [sflag:$0x4] =	stream.linear.gather [hbm4b:s11+s8], $0x80, $0x38;
	[tilespmem:$0x1C300] =	vst v63  }
0x37: {  	_ =	swait.ge [sflag:s19], $0x80  }
0x38: {  	[sflag:s19] =	ssyncset.done $0x0  }
0x39: {  	[sflag:s19] =	ssyncadd.s32 $0xFFFFFF80  }
0x3a: {  	[tilespmem:s21], [sflag:$0x4] =	stream.linear.gather [hbm4b:s13+s8], $0x80, $0x38;
	[tilespmem:$0x1C300] =	vst v63  }
0x3b: {  	_ =	swait.ge [sflag:s19], $0x80  }
0x3c: {  	s9 =	sadd.s32 $0x0, s16;
	[sflag:s19] =	ssyncset.done $0x0  }
0x3d: {  	s10 =	sadd.s32 $0x200, s9;
	[sflag:s19] =	ssyncadd.s32 $0xFFFFFF80  }
0x3e: {  	[tilespmem:s22], [sflag:$0x1] =	stream.linear.gather [hbm4b:s10+s5], $0x80, $0x38;
	[tilespmem:$0x1C300] =	vst v63  }
0x3f: {  	s3 =	sadd.s32 $0x9E40, s9  }
0x40: {  	[tilespmem:s23], [sflag:$0x1] =	stream.linear.gather [hbm4b:s3+s5], $0x80, $0x38;
	[tilespmem:$0x1C300] =	vst v63  }
0x41: {  	_ = 	snop  }
0x42: {  	[tilespmem:s18], [sflag:$0x2] =	stream.indirect.gather [hbm4b:s2+s24], $0x80, s20, s24, $0xb8;
	[tilespmem:$0x1C300] =	vst v63  }
0x43: {  	_ =	swait.ge [sflag:s25], $0x4000  }
0x44: {  	p1 =	por $0x1, $0x1;
	[sflag:s25] =	ssyncset.done $0x0  }
0x45: {  	s3 =	simm.s32 @!p1 $0x3;
	[sflag:s25] =	ssyncadd.s32 $0xFFFFC000  }
0x46: {  	_ =	swait.ge @!p1 [sflag:s3], $0x4000  }
0x47: {  	[sflag:s3] =	ssyncset.done @!p1 $0x0  }
0x48: {  	[sflag:s3] =	ssyncadd.s32 @!p1 $0xFFFFC000  }
0x49: {  	v1 =	vld [tilespmem:$0x140F0]  }
0x4a: {  	v2 =	vld [tilespmem:$0x140D0]  }
0x4b: {  	v3 =	vld [tilespmem:$0x140E0]  }
0x4c: {  	v4 =	vld [tilespmem:$0x140B0]  }
0x4d: {  	v5 =	vld [tilespmem:$0x140C0]  }
0x4e: {  	v6 =	vld [tilespmem:$0x14080];
	[tilespmem:$0x14270] =	vst v1  }
0x4f: {  	v1 =	vld [tilespmem:$0x140A0];
	[tilespmem:$0x14250] =	vst v2  }
0x50: {  	v2 =	vld [tilespmem:$0x14090];
	[tilespmem:$0x14260] =	vst v3  }
0x51: {  	[tilespmem:$0x14230] =	vst v4  }
0x52: {  	[tilespmem:$0x14240] =	vst v5  }
0x53: {  	[tilespmem:$0x14200] =	vst v6  }
0x54: {  	[tilespmem:$0x14220] =	vst v1  }
0x55: {  	[tilespmem:$0x14210] =	vst v2  }
0x56: {  	[spmem:s4] =	stream.indirect.scatter.add.f32 [tilespmem:s18], [sflag:$0x3], $0x80, s26, s24, $0xb8;
	[tilespmem:$0x1C300] =	vst v63  }
0x57: {  	_ =	swait.ge [sflag:s28], $0x80  }
0x58: {  	[sflag:s28] =	ssyncset.done $0x0  }
0x59: {  	p1 =	slt.s32 s7, $0x9C3;
	s3 =	smov.u32 s7;
	[sflag:s28] =	ssyncadd.s32 $0xFFFFFF80  }
0x5a: {  	s3 =	simm.s32 @!p1 $0x9C3;
	_ =	swait.ge [sflag:s28], $0x80  }
0x5b: {  	s3 =	sshll.u32 s3, $0x4;
	[sflag:s28] =	ssyncset.done $0x0  }
0x5c: {  	s17 =	sadd.s32 s1, s3;
	[sflag:s28] =	ssyncadd.s32 $0xFFFFFF80  }
0x5d: {  	[tilespmem:s20], [sflag:$0x1] =	stream.linear.gather [hbm4b:s17+s5], $0x80, $0x38;
	[tilespmem:$0x1C300] =	vst v63  }
0x5e: {  	s3 =	sadd.s32 s3, s12  }
0x5f: {  	[tilespmem:s21], [sflag:$0x1] =	stream.linear.gather [hbm4b:s3+s5], $0x80, $0x38;
	[tilespmem:$0x1C300] =	vst v63  }
0x60: {  	_ = 	snop  }
0x61: {  	[tilespmem:s29], [sflag:$0x2] =	stream.indirect.gather [hbm4b:s2+s24], $0x80, s22, s24, $0xb8;
	[tilespmem:$0x1C300] =	vst v63  }
0x62: {  	_ =	swait.ge [sflag:s25], $0x4000  }
0x63: {  	[sflag:s25] =	ssyncset.done $0x0  }
0x64: {  	[sflag:s25] =	ssyncadd.s32 $0xFFFFC000  }
0x65: {  	_ =	swait.ge [sflag:s30], $0x4000  }
0x66: {  	[sflag:s30] =	ssyncset.done $0x0  }
0x67: {  	[sflag:s30] =	ssyncadd.s32 $0xFFFFC000  }
0x68: {  	v5 =	vld [tilespmem:$0x14180]  }
0x69: {  	v4 =	vld [tilespmem:$0x141D0]  }
0x6a: {  	v1 =	vld [tilespmem:$0x141F0]  }
0x6b: {  	v2 =	vld [tilespmem:$0x141E0]  }
0x6c: {  	s17 =	smov.u32 s7;
	s3 =	simm.s32 $0x400;
	v3 =	vld [tilespmem:$0x14190]  }
.LBB2_4:
0x6d: {  	[tilespmem:$0x14280] =	vst v5;
	v5 =	vld [tilespmem:$0x141A0];
	s17 =	sadd.s32 $0x40, s17;
	s8 =	smov.u32 s3;
	s3 =	sadd.s32 $0x400, s3  }
0x6e: {  	p1 =	sne.s32 s3, $0x9C00;
	v6 =	vld [tilespmem:$0x141B0];
	[tilespmem:$0x142D0] =	vst v4  }
0x6f: {  	v4 =	vld [tilespmem:$0x141C0];
	[tilespmem:$0x142F0] =	vst v1  }
0x70: {  	[tilespmem:$0x142E0] =	vst v2  }
0x71: {  	[tilespmem:$0x14290] =	vst v3  }
0x72: {  	[tilespmem:$0x142A0] =	vst v5  }
0x73: {  	[tilespmem:$0x142B0] =	vst v6  }
0x74: {  	[tilespmem:$0x142C0] =	vst v4  }
0x75: {  	[spmem:s4] =	stream.indirect.scatter.add.f32 [tilespmem:s29], [sflag:$0x3], $0x80, s31, s24, $0xb8;
	[tilespmem:$0x1C300] =	vst v63  }
0x76: {  	_ =	swait.ge [sflag:s28], $0x80  }
0x77: {  	[sflag:s28] =	ssyncset.done $0x0  }
0x78: {  	[sflag:s28] =	ssyncadd.s32 $0xFFFFFF80  }
0x79: {  	_ =	swait.ge [sflag:s28], $0x80  }
0x7a: {  	s9 =	sadd.s32 s8, s16;
	[sflag:s28] =	ssyncset.done $0x0  }
0x7b: {  	s10 =	sadd.s32 $0x200, s9;
	[sflag:s28] =	ssyncadd.s32 $0xFFFFFF80  }
0x7c: {  	[tilespmem:s22], [sflag:$0x1] =	stream.linear.gather [hbm4b:s10+s5], $0x80, $0x38;
	[tilespmem:$0x1C300] =	vst v63  }
0x7d: {  	s9 =	sadd.s32 $0x9E40, s9  }
0x7e: {  	[tilespmem:s23], [sflag:$0x1] =	stream.linear.gather [hbm4b:s9+s5], $0x80, $0x38;
	[tilespmem:$0x1C300] =	vst v63  }
0x7f: {  	_ = 	snop  }
0x80: {  	[tilespmem:s18], [sflag:$0x2] =	stream.indirect.gather [hbm4b:s2+s24], $0x80, s20, s24, $0xb8;
	[tilespmem:$0x1C300] =	vst v63  }
0x81: {  	_ =	swait.ge [sflag:s25], $0x4000  }
0x82: {  	p2 =	seq.s32 s8, $0x0;
	[sflag:s25] =	ssyncset.done $0x0  }
0x83: {  	s8 =	simm.s32 @!p2 $0x3;
	[sflag:s25] =	ssyncadd.s32 $0xFFFFC000  }
0x84: {  	_ =	swait.ge @!p2 [sflag:s8], $0x4000  }
0x85: {  	[sflag:s8] =	ssyncset.done @!p2 $0x0  }
0x86: {  	[sflag:s8] =	ssyncadd.s32 @!p2 $0xFFFFC000  }
0x87: {  	v1 =	vld [tilespmem:$0x140F0]  }
0x88: {  	v2 =	vld [tilespmem:$0x140D0]  }
0x89: {  	v3 =	vld [tilespmem:$0x140E0]  }
0x8a: {  	v4 =	vld [tilespmem:$0x140B0]  }
0x8b: {  	v5 =	vld [tilespmem:$0x140C0]  }
0x8c: {  	v6 =	vld [tilespmem:$0x14080];
	[tilespmem:$0x14270] =	vst v1  }
0x8d: {  	v1 =	vld [tilespmem:$0x140A0];
	[tilespmem:$0x14250] =	vst v2  }
0x8e: {  	v2 =	vld [tilespmem:$0x14090];
	[tilespmem:$0x14260] =	vst v3  }
0x8f: {  	[tilespmem:$0x14230] =	vst v4  }
0x90: {  	[tilespmem:$0x14240] =	vst v5  }
0x91: {  	[tilespmem:$0x14200] =	vst v6  }
0x92: {  	[tilespmem:$0x14220] =	vst v1  }
0x93: {  	[tilespmem:$0x14210] =	vst v2  }
0x94: {  	[spmem:s4] =	stream.indirect.scatter.add.f32 [tilespmem:s18], [sflag:$0x3], $0x80, s26, s24, $0xb8;
	[tilespmem:$0x1C300] =	vst v63  }
0x95: {  	_ =	swait.ge [sflag:s28], $0x80  }
0x96: {  	[sflag:s28] =	ssyncset.done $0x0  }
0x97: {  	p2 =	slt.s32 s17, $0x9C3;
	s8 =	smov.u32 s17;
	[sflag:s28] =	ssyncadd.s32 $0xFFFFFF80  }
0x98: {  	s8 =	simm.s32 @!p2 $0x9C3;
	_ =	swait.ge [sflag:s28], $0x80  }
0x99: {  	s8 =	sshll.u32 s8, $0x4;
	[sflag:s28] =	ssyncset.done $0x0  }
0x9a: {  	s9 =	sadd.s32 s1, s8;
	[sflag:s28] =	ssyncadd.s32 $0xFFFFFF80  }
0x9b: {  	[tilespmem:s20], [sflag:$0x1] =	stream.linear.gather [hbm4b:s9+s5], $0x80, $0x38;
	[tilespmem:$0x1C300] =	vst v63  }
0x9c: {  	s8 =	sadd.s32 s8, s12  }
0x9d: {  	[tilespmem:s21], [sflag:$0x1] =	stream.linear.gather [hbm4b:s8+s5], $0x80, $0x38;
	[tilespmem:$0x1C300] =	vst v63  }
0x9e: {  	_ = 	snop  }
0x9f: {  	[tilespmem:s29], [sflag:$0x2] =	stream.indirect.gather [hbm4b:s2+s24], $0x80, s22, s24, $0xb8;
	[tilespmem:$0x1C300] =	vst v63  }
0xa0: {  	_ =	swait.ge [sflag:s25], $0x4000  }
0xa1: {  	[sflag:s25] =	ssyncset.done $0x0  }
0xa2: {  	[sflag:s25] =	ssyncadd.s32 $0xFFFFC000  }
0xa3: {  	_ =	swait.ge [sflag:s30], $0x4000  }
0xa4: {  	[sflag:s30] =	ssyncset.done $0x0  }
0xa5: {  	[sflag:s30] =	ssyncadd.s32 $0xFFFFC000  }
.Ltmp1:
0xa6: {  	v5 =	vld [tilespmem:$0x14180];
	(pc) =	sbr.rel @p1 .LBB2_4-.Ltmp1, $4  }
0xa7: {  	v4 =	vld [tilespmem:$0x141D0]  }
0xa8: {  	v1 =	vld [tilespmem:$0x141F0]  }
0xa9: {  	v2 =	vld [tilespmem:$0x141E0]  }
0xaa: {  	v3 =	vld [tilespmem:$0x14190]  }
0xab: {  	[tilespmem:$0x14280] =	vst v5;
	v62 =	vld [tilespmem:$0x141A0]  }
0xac: {  	v6 =	vld [tilespmem:$0x141B0];
	[tilespmem:$0x142D0] =	vst v4  }
0xad: {  	v63 =	vld [tilespmem:$0x141C0];
	[tilespmem:$0x142F0] =	vst v1  }
0xae: {  	[tilespmem:$0x142E0] =	vst v2  }
0xaf: {  	[tilespmem:$0x14290] =	vst v3  }
0xb0: {  	[tilespmem:$0x142A0] =	vst v62  }
0xb1: {  	[tilespmem:$0x142B0] =	vst v6  }
0xb2: {  	[tilespmem:$0x142C0] =	vst v63  }
0xb3: {  	[spmem:s4] =	stream.indirect.scatter.add.f32 [tilespmem:s29], [sflag:$0x3], $0x80, s31, s24, $0xb8;
	[tilespmem:$0x1C300] =	vst v63  }
0xb4: {  	_ =	swait.ge [sflag:s28], $0x80  }
0xb5: {  	[sflag:s28] =	ssyncset.done $0x0  }
0xb6: {  	[sflag:s28] =	ssyncadd.s32 $0xFFFFFF80  }
0xb7: {  	_ =	swait.ge [sflag:s28], $0x80  }
0xb8: {  	[sflag:s28] =	ssyncset.done $0x0  }
0xb9: {  	[sflag:s28] =	ssyncadd.s32 $0xFFFFFF80  }
0xba: {  	_ =	swait.ge [sflag:s30], $0x4000  }
0xbb: {  	s3 =	simm.s32 @!p0 $0x80;
	[sflag:s30] =	ssyncset.done $0x0  }
0xbc: {  	s8 =	simm.s32 @!p0 $0x14000;
	s9 =	simm.s32 @!p0 $0x14300;
	[sflag:s30] =	ssyncadd.s32 $0xFFFFC000  }
0xbd: {  	[tilespmem:s9], [sflag:$0x2] =	stream.indirect.gather @!p0 [hbm4b:s2+s3], $0x80, s8, s3, $0xb8;
	[tilespmem:$0x1C300] =	vst v63  }
0xbe: {  	s8 =	simm.s32 @!p0 $0x2  }
0xbf: {  	_ =	swait.ge @!p0 [sflag:s8], $0x4000  }
0xc0: {  	[sflag:s8] =	ssyncset.done @!p0 $0x0  }
0xc1: {  	[sflag:s8] =	ssyncadd.s32 @!p0 $0xFFFFC000;
	s8 =	simm.s32 @!p0 $0x14080  }
0xc2: {  	[spmem:s4] =	stream.indirect.scatter.add.f32 @!p0 [tilespmem:s9], [sflag:$0x4], $0x80, s8, s3, $0xb8;
	[tilespmem:$0x1C300] =	vst v63  }
0xc3: {  	s3 =	simm.s32 @!p0 $0x4  }
0xc4: {  	s10 =	stileid.u32;
	_ =	swait.ge @!p0 [sflag:s3], $0x4000  }
0xc5: {  	s17 =	sshrl.u32 s6, $0x3;
	s0 =	sadd.s32 $0x1, s0;
	[sflag:s3] =	ssyncset.done @!p0 $0x0  }
0xc6: {  	p1 =	sne.s32 s0, s15;
	[sflag:s3] =	ssyncadd.s32 @!p0 $0xFFFFC000;
	s3 =	sshll.u32 s10, $0x6  }
.Ltmp2:
0xc7: {  	[bflag:$0x0] =	sbarrier.arrive $0xFFFF;
	s3 =	sor.u32 $0x1C04, s3;
	(pc) =	sbr.rel @p1 .LBB2_1-.Ltmp2, $4  }
0xc8: {  	[hbm:s14], [sflag:s3] =	dma.local [spmem:s17], $0x2800  }
0xc9: {  	_ =	swait.ge [sflag:s19], $0x2800  }
0xca: {  	[sflag:s19] =	ssyncset.done $0x0  }
0xcb: {  	[sflag:s19] =	ssyncadd.s32 $0xFFFFD800  }
0xcc: {  	_ =	sfence.sel $0x180000  }
0xcd: {  	[bflag:$0x0] =	sbarrier.arrive $0xFFFF  }
0xce: {  	_ =	strace $0x90000047  }
0xcf: {  	s0 =	stileid.u32;
	[bflag:$0x2] =	sbarrier.arrive $0xFFFF  }
0xd0: {  	p0 =	sne.s32 s0, $0x0;
	s0 =	rddreg [dreg:$0x4]  }
0xd1: {  	s0 =	sadd.s32 @!p0 $0x100000, s0  }
0xd2: {  	[sflag:s0] =	ssyncadd.tile.s32 @!p0 $0x1;
	_ =	shalt  }
.Lfunc_end2:
_tile_overlayer_lowered:
.L_overlay_start_2:
0xd3: {  	(tag) =	ssettag $0x2  }
0xd4: {  	s0 =	rddreg [dreg:$0x0];
	s2 =	stileid.u32  }
0xd5: {  	s1 =	rddreg [dreg:$0x1];
	p0 =	sne.s32 s2, $0x0  }
0xd6: {  	s3 =	rddreg [dreg:$0x2];
	[bflag:$0x3] =	sbarrier.arrive $0xFFFF;
	s2 =	simm.s32 @!p0 $0x1C04  }
0xd7: {  	[timem:s3], [sflag:s2] =	dma.local @!p0 [hbm:s0], s1  }
0xd8: {  	s0 =	simm.s32 @!p0 $0x4  }
0xd9: {  	_ =	swait.ge @!p0 [sflag:s0], s1  }
0xda: {  	s1 =	ssub.s32 @!p0 $0x0, s1;
	[sflag:s0] =	ssyncset.done @!p0 $0x0  }
0xdb: {  	[sflag:s0] =	ssyncadd.s32 @!p0 s1  }
0xdc: {  	[bflag:$0x3] =	sbarrier.arrive $0xFFFF  }
0xdd: {  	_ =	shalt  }

</sc_bundles>
